<compile_context>
chip_gen: v7x
topology: tpu7x:2x2x1
jax: 0.10.2.dev20260603
libtpu: 0.0.44.dev20260713+nightly
codegen_flags: <defaults>
</compile_context>

<pallas_src>
import functools

import jax
import jax.numpy as jnp
from jax import lax
from jax.experimental import pallas as pl
from jax.experimental.pallas import tpu as pltpu
from jax.experimental.pallas import tpu_sc as plsc

_N = 10000
_NPAD = 10240
_NC = 2
_NS = 16
_L = 16
_NW = _NC * _NS
_K = 128
_RPT = _NPAD // _NS


def _sc_mesh():
    return plsc.VectorSubcoreMesh(
        core_axis_name="c", subcore_axis_name="s",
        num_cores=_NC, num_subcores=_NS)


def _sc_degree(dst3):
    cpt = dst3.shape[1]

    @functools.partial(
        pl.kernel,
        out_type=[jax.ShapeDtypeStruct((_NPAD, _L), jnp.float32),
                  jax.ShapeDtypeStruct((_NPAD, _L), jnp.float32)],
        mesh=_sc_mesh(),
        scratch_types=[
            pltpu.VMEM((cpt, _K), jnp.int32),
            pltpu.VMEM((_K, _L), jnp.float32),
            pltpu.VMEM((_K, _L), jnp.float32),
            pltpu.VMEM_SHARED((_NPAD, _L), jnp.float32),
        ],
    )
    def deg_kernel(dst_hbm, d0_hbm, d1_hbm, idx_v, ones_v, zb_v, hist):
        c = lax.axis_index("c")
        s = lax.axis_index("s")
        w = c * _NS + s

        @pl.loop(0, _K)
        def _(i):
            ones_v[i] = jnp.full((_L,), 1.0, jnp.float32)
            zb_v[i] = jnp.zeros((_L,), jnp.float32)

        for r in range(_RPT // _K):
            pltpu.sync_copy(zb_v, hist.at[pl.ds(s * _RPT + r * _K, _K)])
        plsc.subcore_barrier()

        pltpu.sync_copy(dst_hbm.at[w], idx_v)

        @pl.loop(0, cpt)
        def _(j):
            pltpu.sync_copy(ones_v, hist.at[idx_v.at[j]], add=True)

        plsc.subcore_barrier()
        sl = pl.ds(s * _RPT, _RPT)

        @pl.when(c == 0)
        def _():
            pltpu.sync_copy(hist.at[sl], d0_hbm.at[sl])

        @pl.when(c == 1)
        def _():
            pltpu.sync_copy(hist.at[sl], d1_hbm.at[sl])

    return deg_kernel(dst3)


def _sc_agg_split(src3, dst3, u0, u1):
    cpt = src3.shape[1]

    @functools.partial(
        pl.kernel,
        out_type=[jax.ShapeDtypeStruct((_NPAD, 128), jnp.float32),
                  jax.ShapeDtypeStruct((_NPAD, 128), jnp.float32)],
        mesh=_sc_mesh(),
        scratch_types=[
            pltpu.VMEM((cpt, _K), jnp.int32),
            pltpu.VMEM((cpt, _K), jnp.int32),
            pltpu.VMEM((_K, 128), jnp.float32),
            pltpu.VMEM_SHARED((_NPAD, 128), jnp.float32),
            pltpu.SemaphoreType.DMA,
        ],
    )
    def agg_kernel(src_hbm, dst_hbm, u0_hbm, u1_hbm, o0_hbm, o1_hbm,
                   src_v, dst_v, buf, acc, sem):
        c = lax.axis_index("c")
        s = lax.axis_index("s")

        @pl.loop(0, _K)
        def _(i):
            @pl.loop(0, 128, step=_L)
            def _(j):
                buf[i, pl.ds(j, _L)] = jnp.zeros((_L,), jnp.float32)

        for r in range(_RPT // _K):
            pltpu.sync_copy(buf, acc.at[pl.ds(s * _RPT + r * _K, _K)])
        plsc.subcore_barrier()

        pltpu.sync_copy(src_hbm.at[s], src_v)
        pltpu.sync_copy(dst_hbm.at[s], dst_v)

        def run(u_hbm):
            @pl.loop(0, cpt)
            def _(j):
                pltpu.async_copy(u_hbm.at[src_v.at[j]], buf, sem).wait()
                pltpu.sync_copy(buf, acc.at[dst_v.at[j]], add=True)

        @pl.when(c == 0)
        def _():
            run(u0_hbm)

        @pl.when(c == 1)
        def _():
            run(u1_hbm)

        plsc.subcore_barrier()
        sl = pl.ds(s * _RPT, _RPT)

        @pl.when(c == 0)
        def _():
            pltpu.sync_copy(acc.at[sl], o0_hbm.at[sl])

        @pl.when(c == 1)
        def _():
            pltpu.sync_copy(acc.at[sl], o1_hbm.at[sl])

    return agg_kernel(src3, dst3, u0, u1)


def _sc_agg_full(src3, dst3, g):
    cpt = src3.shape[1]
    d = g.shape[1]

    @functools.partial(
        pl.kernel,
        out_type=[jax.ShapeDtypeStruct((_NPAD, d), jnp.float32),
                  jax.ShapeDtypeStruct((_NPAD, d), jnp.float32)],
        mesh=_sc_mesh(),
        scratch_types=[
            pltpu.VMEM((cpt, _K), jnp.int32),
            pltpu.VMEM((cpt, _K), jnp.int32),
            pltpu.VMEM((_K, d), jnp.float32),
            pltpu.VMEM_SHARED((_NPAD, d), jnp.float32),
            pltpu.SemaphoreType.DMA,
        ],
        compiler_params=pltpu.CompilerParams(use_tc_tiling_on_sc=False),
    )
    def agg_kernel(src_hbm, dst_hbm, g_hbm, o0_hbm, o1_hbm,
                   src_v, dst_v, buf, acc, sem):
        c = lax.axis_index("c")
        s = lax.axis_index("s")
        w = c * _NS + s

        @pl.loop(0, _K)
        def _(i):
            @pl.loop(0, d, step=_L)
            def _(j):
                buf[i, pl.ds(j, _L)] = jnp.zeros((_L,), jnp.float32)

        for r in range(_RPT // _K):
            pltpu.sync_copy(buf, acc.at[pl.ds(s * _RPT + r * _K, _K)])
        plsc.subcore_barrier()

        pltpu.sync_copy(src_hbm.at[w], src_v)
        pltpu.sync_copy(dst_hbm.at[w], dst_v)

        @pl.loop(0, cpt)
        def _(j):
            pltpu.async_copy(g_hbm.at[src_v.at[j]], buf, sem).wait()
            pltpu.sync_copy(buf, acc.at[dst_v.at[j]], add=True)

        plsc.subcore_barrier()
        sl = pl.ds(s * _RPT, _RPT)

        @pl.when(c == 0)
        def _():
            pltpu.sync_copy(acc.at[sl], o0_hbm.at[sl])

        @pl.when(c == 1)
        def _():
            pltpu.sync_copy(acc.at[sl], o1_hbm.at[sl])

    return agg_kernel(src3, dst3, g)


def _dinv_of(d0_ref, d1_ref):
    return lax.rsqrt(d0_ref[:, 0:1] + d1_ref[:, 0:1] + 1.0)


def _tc_prep(d0, d1, x):
    bn = 2000

    def body(d0_ref, d1_ref, x_ref, u0_ref, u1_ref):
        dinv = _dinv_of(d0_ref, d1_ref)
        u = x_ref[:, :] * dinv
        u0_ref[:, :] = u[:, :128]
        u1_ref[:, :] = u[:, 128:]

    return pl.pallas_call(
        body,
        grid=(_N // bn,),
        in_specs=[pl.BlockSpec((bn, _L), lambda i: (i, 0)),
                  pl.BlockSpec((bn, _L), lambda i: (i, 0)),
                  pl.BlockSpec((bn, 256), lambda i: (i, 0))],
        out_specs=[pl.BlockSpec((bn, 128), lambda i: (i, 0)),
                   pl.BlockSpec((bn, 128), lambda i: (i, 0))],
        out_shape=[jax.ShapeDtypeStruct((_N, 128), jnp.float32),
                   jax.ShapeDtypeStruct((_N, 128), jnp.float32)],
        compiler_params=pltpu.CompilerParams(
            dimension_semantics=("parallel",)),
    )(d0, d1, x)


def _tc_mm1(d0, d1, x, s1a, s1b, w1, b1r):
    bn = 1000

    def body(d0_ref, d1_ref, x_ref, a_ref, b_ref, w_ref, bias_ref, h_ref):
        dinv = _dinv_of(d0_ref, d1_ref)
        d2 = dinv * dinv
        za = a_ref[:, :] * dinv + x_ref[:, :128] * d2
        zb = b_ref[:, :] * dinv + x_ref[:, 128:] * d2
        z = jnp.concatenate([za, zb], axis=1)
        h = lax.dot_general(z, w_ref[:, :], (((1,), (0,)), ((), ())),
                            precision=lax.Precision.HIGHEST,
                            preferred_element_type=jnp.float32)
        h_ref[:, :] = jnp.maximum(h + bias_ref[:, :], 0.0)

    return pl.pallas_call(
        body,
        grid=(_N // bn,),
        in_specs=[pl.BlockSpec((bn, _L), lambda i: (i, 0)),
                  pl.BlockSpec((bn, _L), lambda i: (i, 0)),
                  pl.BlockSpec((bn, 256), lambda i: (i, 0)),
                  pl.BlockSpec((bn, 128), lambda i: (i, 0)),
                  pl.BlockSpec((bn, 128), lambda i: (i, 0)),
                  pl.BlockSpec((256, 512), lambda i: (0, 0)),
                  pl.BlockSpec((1, 512), lambda i: (0, 0))],
        out_specs=pl.BlockSpec((bn, 512), lambda i: (i, 0)),
        out_shape=jax.ShapeDtypeStruct((_N, 512), jnp.float32),
        compiler_params=pltpu.CompilerParams(
            dimension_semantics=("parallel",)),
    )(d0, d1, x, s1a, s1b, w1, b1r)


def _tc_mm2(d0, d1, h, w2):
    bn = 2000

    def body(d0_ref, d1_ref, h_ref, w_ref, g_ref):
        dinv = _dinv_of(d0_ref, d1_ref)
        g = lax.dot_general(h_ref[:, :], w_ref[:, :], (((1,), (0,)), ((), ())),
                            precision=lax.Precision.HIGHEST,
                            preferred_element_type=jnp.float32)
        g_ref[:, :] = g * dinv

    return pl.pallas_call(
        body,
        grid=(_N // bn,),
        in_specs=[pl.BlockSpec((bn, _L), lambda i: (i, 0)),
                  pl.BlockSpec((bn, _L), lambda i: (i, 0)),
                  pl.BlockSpec((bn, 512), lambda i: (i, 0)),
                  pl.BlockSpec((512, 64), lambda i: (0, 0))],
        out_specs=pl.BlockSpec((bn, 64), lambda i: (i, 0)),
        out_shape=jax.ShapeDtypeStruct((_N, 64), jnp.float32),
        compiler_params=pltpu.CompilerParams(
            dimension_semantics=("parallel",)),
    )(d0, d1, h, w2)


def _tc_final(d0, d1, t0, t1, g, b2r):
    bn = 2000

    def body(d0_ref, d1_ref, t0_ref, t1_ref, g_ref, bias_ref, o_ref):
        dinv = _dinv_of(d0_ref, d1_ref)
        s2 = t0_ref[:, :] + t1_ref[:, :] + g_ref[:, :]
        o_ref[:, :] = s2 * dinv + bias_ref[:, :]

    return pl.pallas_call(
        body,
        grid=(_N // bn,),
        in_specs=[pl.BlockSpec((bn, _L), lambda i: (i, 0)),
                  pl.BlockSpec((bn, _L), lambda i: (i, 0)),
                  pl.BlockSpec((bn, 64), lambda i: (i, 0)),
                  pl.BlockSpec((bn, 64), lambda i: (i, 0)),
                  pl.BlockSpec((bn, 64), lambda i: (i, 0)),
                  pl.BlockSpec((1, 64), lambda i: (0, 0))],
        out_specs=pl.BlockSpec((bn, 64), lambda i: (i, 0)),
        out_shape=jax.ShapeDtypeStruct((_N, 64), jnp.float32),
        compiler_params=pltpu.CompilerParams(
            dimension_semantics=("parallel",)),
    )(d0, d1, t0, t1, g, b2r)


def kernel(x, edge_index, W1, b1, W2, b2):
    e = edge_index.shape[1]
    epad = -(-e // (_NW * _K)) * (_NW * _K)
    src = edge_index[0]
    dst = edge_index[1]
    if epad != e:
        src = jnp.concatenate([src, jnp.zeros((epad - e,), jnp.int32)])
        dst = jnp.concatenate([dst, jnp.full((epad - e,), _N, jnp.int32)])
    src_w = src.reshape(_NW, epad // _NW // _K, _K)
    dst_w = dst.reshape(_NW, epad // _NW // _K, _K)
    src_s = src.reshape(_NS, epad // _NS // _K, _K)
    dst_s = dst.reshape(_NS, epad // _NS // _K, _K)

    d0, d1 = _sc_degree(dst_w)
    u0, u1 = _tc_prep(d0, d1, x)
    s1a, s1b = _sc_agg_split(src_s, dst_s, u0, u1)
    h = _tc_mm1(d0, d1, x, s1a, s1b, W1, b1.reshape(1, -1))
    g = _tc_mm2(d0, d1, h, W2)
    t0, t1 = _sc_agg_full(src_w, dst_w, g)
    return _tc_final(d0, d1, t0, t1, g, b2.reshape(1, -1))

# --- scband reference (transcript-rebuilt; emitter-appended) ---
"""Pipeline reference for scband-my-gcnmodel-28321014350065 (READ-ONLY COPY).

The authoritative reference and input builder live on the scoring server;
editing this copy changes nothing except your own understanding.
"""

import jax, jax.numpy as jnp
import numpy as np

N = 10000
E = 160000
D_IN = 256
D_HID = 512
D_OUT = 64


def setup_inputs(seed: int = 0) -> dict:
    key = jax.random.key(seed)
    k1, k2, k3, k4 = jax.random.split(key, 4)
    x = jax.random.normal(k1, (N, D_IN), dtype=jnp.float32)
    edge_index = jax.random.randint(k2, (2, E), 0, N, dtype=jnp.int32)
    W1 = jax.random.normal(k3, (D_IN, D_HID), dtype=jnp.float32) * (1.0 / np.sqrt(D_IN))
    b1 = jnp.zeros((D_HID,), dtype=jnp.float32)
    W2 = jax.random.normal(k4, (D_HID, D_OUT), dtype=jnp.float32) * (1.0 / np.sqrt(D_HID))
    b2 = jnp.zeros((D_OUT,), dtype=jnp.float32)
    return {"x": x, "edge_index": edge_index, "W1": W1, "b1": b1, "W2": W2, "b2": b2}


def reference(x, edge_index, W1, b1, W2, b2):
    # GCNConv (PyG semantics): add self-loops, symmetric normalization,
    # linear transform, scatter-add aggregation by destination node, plus bias.
    src = edge_index[0]
    dst = edge_index[1]
    loop = jnp.arange(N, dtype=src.dtype)
    src = jnp.concatenate([src, loop])
    dst = jnp.concatenate([dst, loop])
    deg = jnp.zeros((N,), dtype=x.dtype).at[dst].add(1.0)
    deg_inv_sqrt = jnp.where(deg > 0, 1.0 / jnp.sqrt(deg), 0.0)
    norm = deg_inv_sqrt[src] * deg_inv_sqrt[dst]

    def gcn_conv(h, W, b):
        h = h @ W
        msg = h[src] * norm[:, None]
        agg = jnp.zeros((N, W.shape[1]), dtype=h.dtype).at[dst].add(msg)
        return agg + b

    h = jax.nn.relu(gcn_conv(x, W1, b1))
    out = gcn_conv(h, W2, b2)
    return out

if __name__ == "__main__":
    import jax
    _d = setup_inputs()
    print(jax.jit(kernel)(*tuple(_d.values())))

</pallas_src>

<mosaic_0001>
#map = affine_map<(d0, d1) -> (0, 0, 0)>
#map1 = affine_map<(d0, d1) -> (0, 0)>
module attributes {stable_mosaic.version = 14 : i64} {
  func.func @agg_kernel(%arg0: i32, %arg1: i32, %arg2: memref<16x80x128xi32, #tpu.memory_space<hbm>>, %arg3: memref<16x80x128xi32, #tpu.memory_space<hbm>>, %arg4: memref<10000x128xf32, #tpu.memory_space<hbm>>, %arg5: memref<10000x128xf32, #tpu.memory_space<hbm>>, %arg6: memref<10240x128xf32, #tpu.memory_space<hbm>>, %arg7: memref<10240x128xf32, #tpu.memory_space<hbm>>, %arg8: memref<80x128xi32, #tpu.memory_space<vmem>>, %arg9: memref<80x128xi32, #tpu.memory_space<vmem>>, %arg10: memref<128x128xf32, #tpu.memory_space<vmem>>, %arg11: memref<10240x128xf32, #tpu.memory_space<vmem_shared>>, %arg12: memref<!tpu.dma_semaphore, #tpu.memory_space<semaphore_mem>>) attributes {dimension_semantics = [#tpu.dimension_semantics<core_parallel>, #tpu.dimension_semantics<subcore_parallel>], iteration_bounds = array<i64: 2, 16>, scalar_prefetch = 0 : i64, scratch_operands = 5 : i64, tpu.core_type = #tpu.core_type<sc_vector_subcore>, window_params = [{transform_indices = #map}, {transform_indices = #map}, {transform_indices = #map1}, {transform_indices = #map1}, {transform_indices = #map1}, {transform_indices = #map1}]} {
    %scan3A = arith.constant 0 : i32
    %scan3A_0 = arith.constant 128 : i32
    %scan3A_1 = arith.addi %scan3A, %scan3A_0 : i32
    %scan3A_2 = arith.constant 1 : i32
    scf.for %scan3A_42 = %scan3A to %scan3A_1 step %scan3A_2  : i32 {
      %mul3A_43 = arith.constant 1 : i32
      %mul3A_44 = arith.muli %scan3A_42, %mul3A_43 : i32
      %add3A_45 = arith.constant 0 : i32
      %add3A_46 = arith.addi %add3A_45, %mul3A_44 : i32
      %scan3A_47 = arith.constant 0 : i32
      %scan3A_48 = arith.constant 8 : i32
      %scan3A_49 = arith.addi %scan3A_47, %scan3A_48 : i32
      %scan3A_50 = arith.constant 1 : i32
      scf.for %scan3A_52 = %scan3A_47 to %scan3A_49 step %scan3A_50  : i32 {
        %mul3A_53 = arith.constant 16 : i32
        %mul3A_54 = arith.muli %scan3A_52, %mul3A_53 : i32
        %add3A_55 = arith.constant 0 : i32
        %add3A_56 = arith.addi %add3A_55, %mul3A_54 : i32
        %broadcast_in_dim3A = arith.constant 0.000000e+00 : f32
        %broadcast_in_dim3A_57 = vector.broadcast %broadcast_in_dim3A : f32 to vector<16xf32>
        %swap3A = arith.index_cast %add3A_46 : i32 to index
        %swap3A_58 = arith.index_cast %add3A_56 : i32 to index
        %swap3A_59 = tpu.vector_load %arg10[%swap3A, %swap3A_58] {strides = array<i32>} : memref<128x128xf32, #tpu.memory_space<vmem>>, vector<1x16xf32>,
        %swap3A_60 = vector.shape_cast %swap3A_59 : vector<1x16xf32> to vector<16xf32>
        %swap3A_61 = vector.shape_cast %broadcast_in_dim3A_57 : vector<16xf32> to vector<1x16xf32>
        tpu.vector_store %arg10[%swap3A, %swap3A_58], %swap3A_61 {strides = array<i32>} : memref<128x128xf32, #tpu.memory_space<vmem>>, vector<1x16xf32>,
      }
      %scan3A_51 = arith.constant 8 : i32
    }
    %scan3A_3 = arith.constant 128 : i32
    %mul3A = arith.constant 640 : i32
    %mul3A_4 = arith.muli %arg1, %mul3A : i32
    %add3A = arith.constant 0 : i32
    %add3A_5 = arith.addi %mul3A_4, %add3A : i32
    "tpu.region"() ({
      %run_scoped3A = tpu.sem_alloc : memref<!tpu.dma_semaphore, #tpu.memory_space<semaphore_mem>>
      %dma_start3A = arith.constant 0 : i32
      %dma_start3A_42 = tpu.memref_slice %arg11[%add3A_5, %dma_start3A] : memref<10240x128xf32, #tpu.memory_space<vmem_shared>> -> memref<128x128xf32, #tpu.memory_space<vmem_shared>>
      %dma_start3A_43 = arith.constant 0 : i32
      %dma_start3A_44 = tpu.memref_slice %arg11[%add3A_5, %dma_start3A_43] : memref<10240x128xf32, #tpu.memory_space<vmem_shared>> -> memref<128x128xf32, #tpu.memory_space<vmem_shared>>
      tpu.enqueue_dma source(%arg10 : memref<128x128xf32, #tpu.memory_space<vmem>>) target(%dma_start3A_44 : memref<128x128xf32, #tpu.memory_space<vmem_shared>>) target_semaphore(%run_scoped3A : memref<!tpu.dma_semaphore, #tpu.memory_space<semaphore_mem>>)
      %dma_wait3A = arith.constant 0 : i32
      %dma_wait3A_45 = tpu.memref_slice %arg11[%add3A_5, %dma_wait3A] : memref<10240x128xf32, #tpu.memory_space<vmem_shared>> -> memref<128x128xf32, #tpu.memory_space<vmem_shared>>
      %dma_wait3A_46 = arith.constant 0 : i32
      %dma_wait3A_47 = tpu.memref_slice %arg11[%add3A_5, %dma_wait3A_46] : memref<10240x128xf32, #tpu.memory_space<vmem_shared>> -> memref<128x128xf32, #tpu.memory_space<vmem_shared>>
      tpu.wait_dma2 semaphore(%run_scoped3A : memref<!tpu.dma_semaphore, #tpu.memory_space<semaphore_mem>>) src(%arg10 : memref<128x128xf32, #tpu.memory_space<vmem>>) dst(%dma_wait3A_47 : memref<128x128xf32, #tpu.memory_space<vmem_shared>>)
      tpu.yield
    }) : () -> ()
    %mul3A_6 = arith.constant 640 : i32
    %mul3A_7 = arith.muli %arg1, %mul3A_6 : i32
    %add3A_8 = arith.constant 128 : i32
    %add3A_9 = arith.addi %mul3A_7, %add3A_8 : i32
    "tpu.region"() ({
      %run_scoped3A = tpu.sem_alloc : memref<!tpu.dma_semaphore, #tpu.memory_space<semaphore_mem>>
      %dma_start3A = arith.constant 0 : i32
      %dma_start3A_42 = tpu.memref_slice %arg11[%add3A_9, %dma_start3A] : memref<10240x128xf32, #tpu.memory_space<vmem_shared>> -> memref<128x128xf32, #tpu.memory_space<vmem_shared>>
      %dma_start3A_43 = arith.constant 0 : i32
      %dma_start3A_44 = tpu.memref_slice %arg11[%add3A_9, %dma_start3A_43] : memref<10240x128xf32, #tpu.memory_space<vmem_shared>> -> memref<128x128xf32, #tpu.memory_space<vmem_shared>>
      tpu.enqueue_dma source(%arg10 : memref<128x128xf32, #tpu.memory_space<vmem>>) target(%dma_start3A_44 : memref<128x128xf32, #tpu.memory_space<vmem_shared>>) target_semaphore(%run_scoped3A : memref<!tpu.dma_semaphore, #tpu.memory_space<semaphore_mem>>)
      %dma_wait3A = arith.constant 0 : i32
      %dma_wait3A_45 = tpu.memref_slice %arg11[%add3A_9, %dma_wait3A] : memref<10240x128xf32, #tpu.memory_space<vmem_shared>> -> memref<128x128xf32, #tpu.memory_space<vmem_shared>>
      %dma_wait3A_46 = arith.constant 0 : i32
      %dma_wait3A_47 = tpu.memref_slice %arg11[%add3A_9, %dma_wait3A_46] : memref<10240x128xf32, #tpu.memory_space<vmem_shared>> -> memref<128x128xf32, #tpu.memory_space<vmem_shared>>
      tpu.wait_dma2 semaphore(%run_scoped3A : memref<!tpu.dma_semaphore, #tpu.memory_space<semaphore_mem>>) src(%arg10 : memref<128x128xf32, #tpu.memory_space<vmem>>) dst(%dma_wait3A_47 : memref<128x128xf32, #tpu.memory_space<vmem_shared>>)
      tpu.yield
    }) : () -> ()
    %mul3A_10 = arith.constant 640 : i32
    %mul3A_11 = arith.muli %arg1, %mul3A_10 : i32
    %add3A_12 = arith.constant 256 : i32
    %add3A_13 = arith.addi %mul3A_11, %add3A_12 : i32
    "tpu.region"() ({
      %run_scoped3A = tpu.sem_alloc : memref<!tpu.dma_semaphore, #tpu.memory_space<semaphore_mem>>
      %dma_start3A = arith.constant 0 : i32
      %dma_start3A_42 = tpu.memref_slice %arg11[%add3A_13, %dma_start3A] : memref<10240x128xf32, #tpu.memory_space<vmem_shared>> -> memref<128x128xf32, #tpu.memory_space<vmem_shared>>
      %dma_start3A_43 = arith.constant 0 : i32
      %dma_start3A_44 = tpu.memref_slice %arg11[%add3A_13, %dma_start3A_43] : memref<10240x128xf32, #tpu.memory_space<vmem_shared>> -> memref<128x128xf32, #tpu.memory_space<vmem_shared>>
      tpu.enqueue_dma source(%arg10 : memref<128x128xf32, #tpu.memory_space<vmem>>) target(%dma_start3A_44 : memref<128x128xf32, #tpu.memory_space<vmem_shared>>) target_semaphore(%run_scoped3A : memref<!tpu.dma_semaphore, #tpu.memory_space<semaphore_mem>>)
      %dma_wait3A = arith.constant 0 : i32
      %dma_wait3A_45 = tpu.memref_slice %arg11[%add3A_13, %dma_wait3A] : memref<10240x128xf32, #tpu.memory_space<vmem_shared>> -> memref<128x128xf32, #tpu.memory_space<vmem_shared>>
      %dma_wait3A_46 = arith.constant 0 : i32
      %dma_wait3A_47 = tpu.memref_slice %arg11[%add3A_13, %dma_wait3A_46] : memref<10240x128xf32, #tpu.memory_space<vmem_shared>> -> memref<128x128xf32, #tpu.memory_space<vmem_shared>>
      tpu.wait_dma2 semaphore(%run_scoped3A : memref<!tpu.dma_semaphore, #tpu.memory_space<semaphore_mem>>) src(%arg10 : memref<128x128xf32, #tpu.memory_space<vmem>>) dst(%dma_wait3A_47 : memref<128x128xf32, #tpu.memory_space<vmem_shared>>)
      tpu.yield
    }) : () -> ()
    %mul3A_14 = arith.constant 640 : i32
    %mul3A_15 = arith.muli %arg1, %mul3A_14 : i32
    %add3A_16 = arith.constant 384 : i32
    %add3A_17 = arith.addi %mul3A_15, %add3A_16 : i32
    "tpu.region"() ({
      %run_scoped3A = tpu.sem_alloc : memref<!tpu.dma_semaphore, #tpu.memory_space<semaphore_mem>>
      %dma_start3A = arith.constant 0 : i32
      %dma_start3A_42 = tpu.memref_slice %arg11[%add3A_17, %dma_start3A] : memref<10240x128xf32, #tpu.memory_space<vmem_shared>> -> memref<128x128xf32, #tpu.memory_space<vmem_shared>>
      %dma_start3A_43 = arith.constant 0 : i32
      %dma_start3A_44 = tpu.memref_slice %arg11[%add3A_17, %dma_start3A_43] : memref<10240x128xf32, #tpu.memory_space<vmem_shared>> -> memref<128x128xf32, #tpu.memory_space<vmem_shared>>
      tpu.enqueue_dma source(%arg10 : memref<128x128xf32, #tpu.memory_space<vmem>>) target(%dma_start3A_44 : memref<128x128xf32, #tpu.memory_space<vmem_shared>>) target_semaphore(%run_scoped3A : memref<!tpu.dma_semaphore, #tpu.memory_space<semaphore_mem>>)
      %dma_wait3A = arith.constant 0 : i32
      %dma_wait3A_45 = tpu.memref_slice %arg11[%add3A_17, %dma_wait3A] : memref<10240x128xf32, #tpu.memory_space<vmem_shared>> -> memref<128x128xf32, #tpu.memory_space<vmem_shared>>
      %dma_wait3A_46 = arith.constant 0 : i32
      %dma_wait3A_47 = tpu.memref_slice %arg11[%add3A_17, %dma_wait3A_46] : memref<10240x128xf32, #tpu.memory_space<vmem_shared>> -> memref<128x128xf32, #tpu.memory_space<vmem_shared>>
      tpu.wait_dma2 semaphore(%run_scoped3A : memref<!tpu.dma_semaphore, #tpu.memory_space<semaphore_mem>>) src(%arg10 : memref<128x128xf32, #tpu.memory_space<vmem>>) dst(%dma_wait3A_47 : memref<128x128xf32, #tpu.memory_space<vmem_shared>>)
      tpu.yield
    }) : () -> ()
    %mul3A_18 = arith.constant 640 : i32
    %mul3A_19 = arith.muli %arg1, %mul3A_18 : i32
    %add3A_20 = arith.constant 512 : i32
    %add3A_21 = arith.addi %mul3A_19, %add3A_20 : i32
    "tpu.region"() ({
      %run_scoped3A = tpu.sem_alloc : memref<!tpu.dma_semaphore, #tpu.memory_space<semaphore_mem>>
      %dma_start3A = arith.constant 0 : i32
      %dma_start3A_42 = tpu.memref_slice %arg11[%add3A_21, %dma_start3A] : memref<10240x128xf32, #tpu.memory_space<vmem_shared>> -> memref<128x128xf32, #tpu.memory_space<vmem_shared>>
      %dma_start3A_43 = arith.constant 0 : i32
      %dma_start3A_44 = tpu.memref_slice %arg11[%add3A_21, %dma_start3A_43] : memref<10240x128xf32, #tpu.memory_space<vmem_shared>> -> memref<128x128xf32, #tpu.memory_space<vmem_shared>>
      tpu.enqueue_dma source(%arg10 : memref<128x128xf32, #tpu.memory_space<vmem>>) target(%dma_start3A_44 : memref<128x128xf32, #tpu.memory_space<vmem_shared>>) target_semaphore(%run_scoped3A : memref<!tpu.dma_semaphore, #tpu.memory_space<semaphore_mem>>)
      %dma_wait3A = arith.constant 0 : i32
      %dma_wait3A_45 = tpu.memref_slice %arg11[%add3A_21, %dma_wait3A] : memref<10240x128xf32, #tpu.memory_space<vmem_shared>> -> memref<128x128xf32, #tpu.memory_space<vmem_shared>>
      %dma_wait3A_46 = arith.constant 0 : i32
      %dma_wait3A_47 = tpu.memref_slice %arg11[%add3A_21, %dma_wait3A_46] : memref<10240x128xf32, #tpu.memory_space<vmem_shared>> -> memref<128x128xf32, #tpu.memory_space<vmem_shared>>
      tpu.wait_dma2 semaphore(%run_scoped3A : memref<!tpu.dma_semaphore, #tpu.memory_space<semaphore_mem>>) src(%arg10 : memref<128x128xf32, #tpu.memory_space<vmem>>) dst(%dma_wait3A_47 : memref<128x128xf32, #tpu.memory_space<vmem_shared>>)
      tpu.yield
    }) : () -> ()
    %barrier3A = arith.constant 0 : index
    tpu.barrier barrier_id(%barrier3A)
    "tpu.region"() ({
      %run_scoped3A = tpu.sem_alloc : memref<!tpu.dma_semaphore, #tpu.memory_space<semaphore_mem>>
      %dma_start3A = arith.constant 0 : i32
      %dma_start3A_42 = arith.constant 0 : i32
      %dma_start3A_43 = tpu.memref_slice %arg2[%arg1, %dma_start3A, %dma_start3A_42] : memref<16x80x128xi32, #tpu.memory_space<hbm>> -> memref<1x80x128xi32, #tpu.memory_space<hbm>>
      %dma_start3A_44 = tpu.memref_squeeze %dma_start3A_43 : memref<1x80x128xi32, #tpu.memory_space<hbm>> -> memref<80x128xi32, #tpu.memory_space<hbm>>
      %dma_start3A_45 = arith.constant 0 : i32
      %dma_start3A_46 = arith.constant 0 : i32
      %dma_start3A_47 = tpu.memref_slice %arg2[%arg1, %dma_start3A_45, %dma_start3A_46] : memref<16x80x128xi32, #tpu.memory_space<hbm>> -> memref<1x80x128xi32, #tpu.memory_space<hbm>>
      %dma_start3A_48 = tpu.memref_squeeze %dma_start3A_47 : memref<1x80x128xi32, #tpu.memory_space<hbm>> -> memref<80x128xi32, #tpu.memory_space<hbm>>
      tpu.enqueue_dma source(%dma_start3A_48 : memref<80x128xi32, #tpu.memory_space<hbm>>) target(%arg8 : memref<80x128xi32, #tpu.memory_space<vmem>>) target_semaphore(%run_scoped3A : memref<!tpu.dma_semaphore, #tpu.memory_space<semaphore_mem>>)
      %dma_wait3A = arith.constant 0 : i32
      %dma_wait3A_49 = arith.constant 0 : i32
      %dma_wait3A_50 = tpu.memref_slice %arg2[%arg1, %dma_wait3A, %dma_wait3A_49] : memref<16x80x128xi32, #tpu.memory_space<hbm>> -> memref<1x80x128xi32, #tpu.memory_space<hbm>>
      %dma_wait3A_51 = tpu.memref_squeeze %dma_wait3A_50 : memref<1x80x128xi32, #tpu.memory_space<hbm>> -> memref<80x128xi32, #tpu.memory_space<hbm>>
      %dma_wait3A_52 = arith.constant 0 : i32
      %dma_wait3A_53 = arith.constant 0 : i32
      %dma_wait3A_54 = tpu.memref_slice %arg2[%arg1, %dma_wait3A_52, %dma_wait3A_53] : memref<16x80x128xi32, #tpu.memory_space<hbm>> -> memref<1x80x128xi32, #tpu.memory_space<hbm>>
      %dma_wait3A_55 = tpu.memref_squeeze %dma_wait3A_54 : memref<1x80x128xi32, #tpu.memory_space<hbm>> -> memref<80x128xi32, #tpu.memory_space<hbm>>
      tpu.wait_dma2 semaphore(%run_scoped3A : memref<!tpu.dma_semaphore, #tpu.memory_space<semaphore_mem>>) src(%dma_wait3A_55 : memref<80x128xi32, #tpu.memory_space<hbm>>) dst(%arg8 : memref<80x128xi32, #tpu.memory_space<vmem>>)
      tpu.yield
    }) : () -> ()
    "tpu.region"() ({
      %run_scoped3A = tpu.sem_alloc : memref<!tpu.dma_semaphore, #tpu.memory_space<semaphore_mem>>
      %dma_start3A = arith.constant 0 : i32
      %dma_start3A_42 = arith.constant 0 : i32
      %dma_start3A_43 = tpu.memref_slice %arg3[%arg1, %dma_start3A, %dma_start3A_42] : memref<16x80x128xi32, #tpu.memory_space<hbm>> -> memref<1x80x128xi32, #tpu.memory_space<hbm>>
      %dma_start3A_44 = tpu.memref_squeeze %dma_start3A_43 : memref<1x80x128xi32, #tpu.memory_space<hbm>> -> memref<80x128xi32, #tpu.memory_space<hbm>>
      %dma_start3A_45 = arith.constant 0 : i32
      %dma_start3A_46 = arith.constant 0 : i32
      %dma_start3A_47 = tpu.memref_slice %arg3[%arg1, %dma_start3A_45, %dma_start3A_46] : memref<16x80x128xi32, #tpu.memory_space<hbm>> -> memref<1x80x128xi32, #tpu.memory_space<hbm>>
      %dma_start3A_48 = tpu.memref_squeeze %dma_start3A_47 : memref<1x80x128xi32, #tpu.memory_space<hbm>> -> memref<80x128xi32, #tpu.memory_space<hbm>>
      tpu.enqueue_dma source(%dma_start3A_48 : memref<80x128xi32, #tpu.memory_space<hbm>>) target(%arg9 : memref<80x128xi32, #tpu.memory_space<vmem>>) target_semaphore(%run_scoped3A : memref<!tpu.dma_semaphore, #tpu.memory_space<semaphore_mem>>)
      %dma_wait3A = arith.constant 0 : i32
      %dma_wait3A_49 = arith.constant 0 : i32
      %dma_wait3A_50 = tpu.memref_slice %arg3[%arg1, %dma_wait3A, %dma_wait3A_49] : memref<16x80x128xi32, #tpu.memory_space<hbm>> -> memref<1x80x128xi32, #tpu.memory_space<hbm>>
      %dma_wait3A_51 = tpu.memref_squeeze %dma_wait3A_50 : memref<1x80x128xi32, #tpu.memory_space<hbm>> -> memref<80x128xi32, #tpu.memory_space<hbm>>
      %dma_wait3A_52 = arith.constant 0 : i32
      %dma_wait3A_53 = arith.constant 0 : i32
      %dma_wait3A_54 = tpu.memref_slice %arg3[%arg1, %dma_wait3A_52, %dma_wait3A_53] : memref<16x80x128xi32, #tpu.memory_space<hbm>> -> memref<1x80x128xi32, #tpu.memory_space<hbm>>
      %dma_wait3A_55 = tpu.memref_squeeze %dma_wait3A_54 : memref<1x80x128xi32, #tpu.memory_space<hbm>> -> memref<80x128xi32, #tpu.memory_space<hbm>>
      tpu.wait_dma2 semaphore(%run_scoped3A : memref<!tpu.dma_semaphore, #tpu.memory_space<semaphore_mem>>) src(%dma_wait3A_55 : memref<80x128xi32, #tpu.memory_space<hbm>>) dst(%arg9 : memref<80x128xi32, #tpu.memory_space<vmem>>)
      tpu.yield
    }) : () -> ()
    %eq3A = arith.constant 0 : i32
    %eq3A_22 = arith.cmpi eq, %arg0, %eq3A : i32
    %convert_element_type3A = arith.extui %eq3A_22 : i1 to i32
    %cond3A = arith.constant 0 : i32
    %cond3A_23 = arith.cmpi ne, %convert_element_type3A, %cond3A : i32
    scf.if %cond3A_23 {
      %scan3A_42 = arith.constant 0 : i32
      %scan3A_43 = arith.constant 80 : i32
      %scan3A_44 = arith.addi %scan3A_42, %scan3A_43 : i32
      %scan3A_45 = arith.constant 1 : i32
      scf.for %scan3A_47 = %scan3A_42 to %scan3A_44 step %scan3A_45  : i32 {
        %mul3A_48 = arith.constant 1 : i32
        %mul3A_49 = arith.muli %scan3A_47, %mul3A_48 : i32
        %add3A_50 = arith.constant 0 : i32
        %add3A_51 = arith.addi %add3A_50, %mul3A_49 : i32
        %dma_start3A = arith.constant 0 : i32
        %dma_start3A_52 = tpu.memref_slice %arg8[%add3A_51, %dma_start3A] : memref<80x128xi32, #tpu.memory_space<vmem>> -> memref<1x128xi32, #tpu.memory_space<vmem>>
        %dma_start3A_53 = tpu.memref_squeeze %dma_start3A_52 : memref<1x128xi32, #tpu.memory_space<vmem>> -> memref<128xi32, #tpu.memory_space<vmem>>
        %dma_start3A_54 = arith.constant 0 : i32
        %dma_start3A_55 = arith.constant 0 : i32
        %dma_start3A_56 = tpu.memref_slice %arg4[%dma_start3A_54, %dma_start3A_55] : memref<10000x128xf32, #tpu.memory_space<hbm>> -> memref<10000x128xf32, #tpu.memory_space<hbm>>
        tpu.enqueue_indirect_dma source(%dma_start3A_56 : memref<10000x128xf32, #tpu.memory_space<hbm>>) target(%arg10 : memref<128x128xf32, #tpu.memory_space<vmem>>) offsets(%dma_start3A_53 : memref<128xi32, #tpu.memory_space<vmem>>) semaphore(%arg12 : memref<!tpu.dma_semaphore, #tpu.memory_space<semaphore_mem>>)
        %dma_wait3A = arith.constant 0 : i32
        %dma_wait3A_57 = tpu.memref_slice %arg8[%add3A_51, %dma_wait3A] : memref<80x128xi32, #tpu.memory_space<vmem>> -> memref<1x128xi32, #tpu.memory_space<vmem>>
        %dma_wait3A_58 = tpu.memref_squeeze %dma_wait3A_57 : memref<1x128xi32, #tpu.memory_space<vmem>> -> memref<128xi32, #tpu.memory_space<vmem>>
        %dma_wait3A_59 = arith.constant 0 : i32
        %dma_wait3A_60 = arith.constant 0 : i32
        %dma_wait3A_61 = tpu.memref_slice %arg4[%dma_wait3A_59, %dma_wait3A_60] : memref<10000x128xf32, #tpu.memory_space<hbm>> -> memref<10000x128xf32, #tpu.memory_space<hbm>>
        tpu.wait_indirect_dma semaphore(%arg12 : memref<!tpu.dma_semaphore, #tpu.memory_space<semaphore_mem>>) src(%dma_wait3A_61 : memref<10000x128xf32, #tpu.memory_space<hbm>>) dst(%arg10 : memref<128x128xf32, #tpu.memory_space<vmem>>)
        "tpu.region"() ({
          %run_scoped3A = tpu.sem_alloc : memref<!tpu.dma_semaphore, #tpu.memory_space<semaphore_mem>>
          %dma_start3A_62 = arith.constant 0 : i32
          %dma_start3A_63 = tpu.memref_slice %arg9[%add3A_51, %dma_start3A_62] : memref<80x128xi32, #tpu.memory_space<vmem>> -> memref<1x128xi32, #tpu.memory_space<vmem>>
          %dma_start3A_64 = tpu.memref_squeeze %dma_start3A_63 : memref<1x128xi32, #tpu.memory_space<vmem>> -> memref<128xi32, #tpu.memory_space<vmem>>
          %dma_start3A_65 = arith.constant 0 : i32
          %dma_start3A_66 = arith.constant 0 : i32
          %dma_start3A_67 = tpu.memref_slice %arg11[%dma_start3A_65, %dma_start3A_66] : memref<10240x128xf32, #tpu.memory_space<vmem_shared>> -> memref<10240x128xf32, #tpu.memory_space<vmem_shared>>
          tpu.enqueue_indirect_dma source(%arg10 : memref<128x128xf32, #tpu.memory_space<vmem>>) target(%dma_start3A_67 : memref<10240x128xf32, #tpu.memory_space<vmem_shared>>) offsets(%dma_start3A_64 : memref<128xi32, #tpu.memory_space<vmem>>) semaphore(%run_scoped3A : memref<!tpu.dma_semaphore, #tpu.memory_space<semaphore_mem>>) {add = true}
          %dma_wait3A_68 = arith.constant 0 : i32
          %dma_wait3A_69 = tpu.memref_slice %arg9[%add3A_51, %dma_wait3A_68] : memref<80x128xi32, #tpu.memory_space<vmem>> -> memref<1x128xi32, #tpu.memory_space<vmem>>
          %dma_wait3A_70 = tpu.memref_squeeze %dma_wait3A_69 : memref<1x128xi32, #tpu.memory_space<vmem>> -> memref<128xi32, #tpu.memory_space<vmem>>
          %dma_wait3A_71 = arith.constant 0 : i32
          %dma_wait3A_72 = arith.constant 0 : i32
          %dma_wait3A_73 = tpu.memref_slice %arg11[%dma_wait3A_71, %dma_wait3A_72] : memref<10240x128xf32, #tpu.memory_space<vmem_shared>> -> memref<10240x128xf32, #tpu.memory_space<vmem_shared>>
          tpu.wait_indirect_dma semaphore(%run_scoped3A : memref<!tpu.dma_semaphore, #tpu.memory_space<semaphore_mem>>) src(%arg10 : memref<128x128xf32, #tpu.memory_space<vmem>>) dst(%dma_wait3A_73 : memref<10240x128xf32, #tpu.memory_space<vmem_shared>>)
          tpu.yield
        }) : () -> ()
      }
      %scan3A_46 = arith.constant 80 : i32
    } else {
    }
    %eq3A_24 = arith.constant 1 : i32
    %eq3A_25 = arith.cmpi eq, %arg0, %eq3A_24 : i32
    %convert_element_type3A_26 = arith.extui %eq3A_25 : i1 to i32
    %cond3A_27 = arith.constant 0 : i32
    %cond3A_28 = arith.cmpi ne, %convert_element_type3A_26, %cond3A_27 : i32
    scf.if %cond3A_28 {
      %scan3A_42 = arith.constant 0 : i32
      %scan3A_43 = arith.constant 80 : i32
      %scan3A_44 = arith.addi %scan3A_42, %scan3A_43 : i32
      %scan3A_45 = arith.constant 1 : i32
      scf.for %scan3A_47 = %scan3A_42 to %scan3A_44 step %scan3A_45  : i32 {
        %mul3A_48 = arith.constant 1 : i32
        %mul3A_49 = arith.muli %scan3A_47, %mul3A_48 : i32
        %add3A_50 = arith.constant 0 : i32
        %add3A_51 = arith.addi %add3A_50, %mul3A_49 : i32
        %dma_start3A = arith.constant 0 : i32
        %dma_start3A_52 = tpu.memref_slice %arg8[%add3A_51, %dma_start3A] : memref<80x128xi32, #tpu.memory_space<vmem>> -> memref<1x128xi32, #tpu.memory_space<vmem>>
        %dma_start3A_53 = tpu.memref_squeeze %dma_start3A_52 : memref<1x128xi32, #tpu.memory_space<vmem>> -> memref<128xi32, #tpu.memory_space<vmem>>
        %dma_start3A_54 = arith.constant 0 : i32
        %dma_start3A_55 = arith.constant 0 : i32
        %dma_start3A_56 = tpu.memref_slice %arg5[%dma_start3A_54, %dma_start3A_55] : memref<10000x128xf32, #tpu.memory_space<hbm>> -> memref<10000x128xf32, #tpu.memory_space<hbm>>
        tpu.enqueue_indirect_dma source(%dma_start3A_56 : memref<10000x128xf32, #tpu.memory_space<hbm>>) target(%arg10 : memref<128x128xf32, #tpu.memory_space<vmem>>) offsets(%dma_start3A_53 : memref<128xi32, #tpu.memory_space<vmem>>) semaphore(%arg12 : memref<!tpu.dma_semaphore, #tpu.memory_space<semaphore_mem>>)
        %dma_wait3A = arith.constant 0 : i32
        %dma_wait3A_57 = tpu.memref_slice %arg8[%add3A_51, %dma_wait3A] : memref<80x128xi32, #tpu.memory_space<vmem>> -> memref<1x128xi32, #tpu.memory_space<vmem>>
        %dma_wait3A_58 = tpu.memref_squeeze %dma_wait3A_57 : memref<1x128xi32, #tpu.memory_space<vmem>> -> memref<128xi32, #tpu.memory_space<vmem>>
        %dma_wait3A_59 = arith.constant 0 : i32
        %dma_wait3A_60 = arith.constant 0 : i32
        %dma_wait3A_61 = tpu.memref_slice %arg5[%dma_wait3A_59, %dma_wait3A_60] : memref<10000x128xf32, #tpu.memory_space<hbm>> -> memref<10000x128xf32, #tpu.memory_space<hbm>>
        tpu.wait_indirect_dma semaphore(%arg12 : memref<!tpu.dma_semaphore, #tpu.memory_space<semaphore_mem>>) src(%dma_wait3A_61 : memref<10000x128xf32, #tpu.memory_space<hbm>>) dst(%arg10 : memref<128x128xf32, #tpu.memory_space<vmem>>)
        "tpu.region"() ({
          %run_scoped3A = tpu.sem_alloc : memref<!tpu.dma_semaphore, #tpu.memory_space<semaphore_mem>>
          %dma_start3A_62 = arith.constant 0 : i32
          %dma_start3A_63 = tpu.memref_slice %arg9[%add3A_51, %dma_start3A_62] : memref<80x128xi32, #tpu.memory_space<vmem>> -> memref<1x128xi32, #tpu.memory_space<vmem>>
          %dma_start3A_64 = tpu.memref_squeeze %dma_start3A_63 : memref<1x128xi32, #tpu.memory_space<vmem>> -> memref<128xi32, #tpu.memory_space<vmem>>
          %dma_start3A_65 = arith.constant 0 : i32
          %dma_start3A_66 = arith.constant 0 : i32
          %dma_start3A_67 = tpu.memref_slice %arg11[%dma_start3A_65, %dma_start3A_66] : memref<10240x128xf32, #tpu.memory_space<vmem_shared>> -> memref<10240x128xf32, #tpu.memory_space<vmem_shared>>
          tpu.enqueue_indirect_dma source(%arg10 : memref<128x128xf32, #tpu.memory_space<vmem>>) target(%dma_start3A_67 : memref<10240x128xf32, #tpu.memory_space<vmem_shared>>) offsets(%dma_start3A_64 : memref<128xi32, #tpu.memory_space<vmem>>) semaphore(%run_scoped3A : memref<!tpu.dma_semaphore, #tpu.memory_space<semaphore_mem>>) {add = true}
          %dma_wait3A_68 = arith.constant 0 : i32
          %dma_wait3A_69 = tpu.memref_slice %arg9[%add3A_51, %dma_wait3A_68] : memref<80x128xi32, #tpu.memory_space<vmem>> -> memref<1x128xi32, #tpu.memory_space<vmem>>
          %dma_wait3A_70 = tpu.memref_squeeze %dma_wait3A_69 : memref<1x128xi32, #tpu.memory_space<vmem>> -> memref<128xi32, #tpu.memory_space<vmem>>
          %dma_wait3A_71 = arith.constant 0 : i32
          %dma_wait3A_72 = arith.constant 0 : i32
          %dma_wait3A_73 = tpu.memref_slice %arg11[%dma_wait3A_71, %dma_wait3A_72] : memref<10240x128xf32, #tpu.memory_space<vmem_shared>> -> memref<10240x128xf32, #tpu.memory_space<vmem_shared>>
          tpu.wait_indirect_dma semaphore(%run_scoped3A : memref<!tpu.dma_semaphore, #tpu.memory_space<semaphore_mem>>) src(%arg10 : memref<128x128xf32, #tpu.memory_space<vmem>>) dst(%dma_wait3A_73 : memref<10240x128xf32, #tpu.memory_space<vmem_shared>>)
          tpu.yield
        }) : () -> ()
      }
      %scan3A_46 = arith.constant 80 : i32
    } else {
    }
    %barrier3A_29 = arith.constant 0 : index
    tpu.barrier barrier_id(%barrier3A_29)
    %mul3A_30 = arith.constant 640 : i32
    %mul3A_31 = arith.muli %arg1, %mul3A_30 : i32
    %eq3A_32 = arith.constant 0 : i32
    %eq3A_33 = arith.cmpi eq, %arg0, %eq3A_32 : i32
    %convert_element_type3A_34 = arith.extui %eq3A_33 : i1 to i32
    %cond3A_35 = arith.constant 0 : i32
    %cond3A_36 = arith.cmpi ne, %convert_element_type3A_34, %cond3A_35 : i32
    scf.if %cond3A_36 {
      "tpu.region"() ({
        %run_scoped3A = tpu.sem_alloc : memref<!tpu.dma_semaphore, #tpu.memory_space<semaphore_mem>>
        %dma_start3A = arith.constant 0 : i32
        %dma_start3A_42 = tpu.memref_slice %arg6[%mul3A_31, %dma_start3A] : memref<10240x128xf32, #tpu.memory_space<hbm>> -> memref<640x128xf32, #tpu.memory_space<hbm>>
        %dma_start3A_43 = arith.constant 0 : i32
        %dma_start3A_44 = tpu.memref_slice %arg11[%mul3A_31, %dma_start3A_43] : memref<10240x128xf32, #tpu.memory_space<vmem_shared>> -> memref<640x128xf32, #tpu.memory_space<vmem_shared>>
        tpu.enqueue_dma source(%dma_start3A_44 : memref<640x128xf32, #tpu.memory_space<vmem_shared>>) target(%dma_start3A_42 : memref<640x128xf32, #tpu.memory_space<hbm>>) target_semaphore(%run_scoped3A : memref<!tpu.dma_semaphore, #tpu.memory_space<semaphore_mem>>)
        %dma_wait3A = arith.constant 0 : i32
        %dma_wait3A_45 = tpu.memref_slice %arg6[%mul3A_31, %dma_wait3A] : memref<10240x128xf32, #tpu.memory_space<hbm>> -> memref<640x128xf32, #tpu.memory_space<hbm>>
        %dma_wait3A_46 = arith.constant 0 : i32
        %dma_wait3A_47 = tpu.memref_slice %arg11[%mul3A_31, %dma_wait3A_46] : memref<10240x128xf32, #tpu.memory_space<vmem_shared>> -> memref<640x128xf32, #tpu.memory_space<vmem_shared>>
        tpu.wait_dma2 semaphore(%run_scoped3A : memref<!tpu.dma_semaphore, #tpu.memory_space<semaphore_mem>>) src(%dma_wait3A_47 : memref<640x128xf32, #tpu.memory_space<vmem_shared>>) dst(%dma_wait3A_45 : memref<640x128xf32, #tpu.memory_space<hbm>>)
        tpu.yield
      }) : () -> ()
    } else {
    }
    %eq3A_37 = arith.constant 1 : i32
    %eq3A_38 = arith.cmpi eq, %arg0, %eq3A_37 : i32
    %convert_element_type3A_39 = arith.extui %eq3A_38 : i1 to i32
    %cond3A_40 = arith.constant 0 : i32
    %cond3A_41 = arith.cmpi ne, %convert_element_type3A_39, %cond3A_40 : i32
    scf.if %cond3A_41 {
      "tpu.region"() ({
        %run_scoped3A = tpu.sem_alloc : memref<!tpu.dma_semaphore, #tpu.memory_space<semaphore_mem>>
        %dma_start3A = arith.constant 0 : i32
        %dma_start3A_42 = tpu.memref_slice %arg7[%mul3A_31, %dma_start3A] : memref<10240x128xf32, #tpu.memory_space<hbm>> -> memref<640x128xf32, #tpu.memory_space<hbm>>
        %dma_start3A_43 = arith.constant 0 : i32
        %dma_start3A_44 = tpu.memref_slice %arg11[%mul3A_31, %dma_start3A_43] : memref<10240x128xf32, #tpu.memory_space<vmem_shared>> -> memref<640x128xf32, #tpu.memory_space<vmem_shared>>
        tpu.enqueue_dma source(%dma_start3A_44 : memref<640x128xf32, #tpu.memory_space<vmem_shared>>) target(%dma_start3A_42 : memref<640x128xf32, #tpu.memory_space<hbm>>) target_semaphore(%run_scoped3A : memref<!tpu.dma_semaphore, #tpu.memory_space<semaphore_mem>>)
        %dma_wait3A = arith.constant 0 : i32
        %dma_wait3A_45 = tpu.memref_slice %arg7[%mul3A_31, %dma_wait3A] : memref<10240x128xf32, #tpu.memory_space<hbm>> -> memref<640x128xf32, #tpu.memory_space<hbm>>
        %dma_wait3A_46 = arith.constant 0 : i32
        %dma_wait3A_47 = tpu.memref_slice %arg11[%mul3A_31, %dma_wait3A_46] : memref<10240x128xf32, #tpu.memory_space<vmem_shared>> -> memref<640x128xf32, #tpu.memory_space<vmem_shared>>
        tpu.wait_dma2 semaphore(%run_scoped3A : memref<!tpu.dma_semaphore, #tpu.memory_space<semaphore_mem>>) src(%dma_wait3A_47 : memref<640x128xf32, #tpu.memory_space<vmem_shared>>) dst(%dma_wait3A_45 : memref<640x128xf32, #tpu.memory_space<hbm>>)
        tpu.yield
      }) : () -> ()
    } else {
    }
    return
  }
}

#map = affine_map<(d0, d1) -> (0, 0, 0)>
#map1 = affine_map<(d0, d1) -> (0, 0)>
module attributes {stable_mosaic.version = 14 : i64} {
  func.func @deg_kernel(%arg0: i32, %arg1: i32, %arg2: memref<32x40x128xi32, #tpu.memory_space<hbm>>, %arg3: memref<10240x16xf32, #tpu.memory_space<hbm>>, %arg4: memref<10240x16xf32, #tpu.memory_space<hbm>>, %arg5: memref<40x128xi32, #tpu.memory_space<vmem>>, %arg6: memref<128x16xf32, #tpu.memory_space<vmem>>, %arg7: memref<128x16xf32, #tpu.memory_space<vmem>>, %arg8: memref<10240x16xf32, #tpu.memory_space<vmem_shared>>) attributes {dimension_semantics = [#tpu.dimension_semantics<core_parallel>, #tpu.dimension_semantics<subcore_parallel>], iteration_bounds = array<i64: 2, 16>, scalar_prefetch = 0 : i64, scratch_operands = 4 : i64, tpu.core_type = #tpu.core_type<sc_vector_subcore>, window_params = [{transform_indices = #map}, {transform_indices = #map1}, {transform_indices = #map1}]} {
    %mul3A = arith.constant 16 : i32
    %mul3A_0 = arith.muli %arg0, %mul3A : i32
    %add3A = arith.addi %mul3A_0, %arg1 : i32
    %scan3A = arith.constant 0 : i32
    %scan3A_1 = arith.constant 128 : i32
    %scan3A_2 = arith.addi %scan3A, %scan3A_1 : i32
    %scan3A_3 = arith.constant 1 : i32
    scf.for %scan3A_40 = %scan3A to %scan3A_2 step %scan3A_3  : i32 {
      %mul3A_41 = arith.constant 1 : i32
      %mul3A_42 = arith.muli %scan3A_40, %mul3A_41 : i32
      %add3A_43 = arith.constant 0 : i32
      %add3A_44 = arith.addi %add3A_43, %mul3A_42 : i32
      %broadcast_in_dim3A = arith.constant 1.000000e+00 : f32
      %broadcast_in_dim3A_45 = vector.broadcast %broadcast_in_dim3A : f32 to vector<16xf32>
      %swap3A = arith.index_cast %add3A_44 : i32 to index
      %swap3A_46 = arith.constant 0 : index
      %swap3A_47 = tpu.vector_load %arg6[%swap3A, %swap3A_46] {strides = array<i32>} : memref<128x16xf32, #tpu.memory_space<vmem>>, vector<1x16xf32>,
      %swap3A_48 = vector.shape_cast %swap3A_47 : vector<1x16xf32> to vector<16xf32>
      %swap3A_49 = vector.shape_cast %broadcast_in_dim3A_45 : vector<16xf32> to vector<1x16xf32>
      tpu.vector_store %arg6[%swap3A, %swap3A_46], %swap3A_49 {strides = array<i32>} : memref<128x16xf32, #tpu.memory_space<vmem>>, vector<1x16xf32>,
      %broadcast_in_dim3A_50 = arith.constant 0.000000e+00 : f32
      %broadcast_in_dim3A_51 = vector.broadcast %broadcast_in_dim3A_50 : f32 to vector<16xf32>
      %swap3A_52 = arith.index_cast %add3A_44 : i32 to index
      %swap3A_53 = arith.constant 0 : index
      %swap3A_54 = tpu.vector_load %arg7[%swap3A_52, %swap3A_53] {strides = array<i32>} : memref<128x16xf32, #tpu.memory_space<vmem>>, vector<1x16xf32>,
      %swap3A_55 = vector.shape_cast %swap3A_54 : vector<1x16xf32> to vector<16xf32>
      %swap3A_56 = vector.shape_cast %broadcast_in_dim3A_51 : vector<16xf32> to vector<1x16xf32>
      tpu.vector_store %arg7[%swap3A_52, %swap3A_53], %swap3A_56 {strides = array<i32>} : memref<128x16xf32, #tpu.memory_space<vmem>>, vector<1x16xf32>,
    }
    %scan3A_4 = arith.constant 128 : i32
    %mul3A_5 = arith.constant 640 : i32
    %mul3A_6 = arith.muli %arg1, %mul3A_5 : i32
    %add3A_7 = arith.constant 0 : i32
    %add3A_8 = arith.addi %mul3A_6, %add3A_7 : i32
    "tpu.region"() ({
      %run_scoped3A = tpu.sem_alloc : memref<!tpu.dma_semaphore, #tpu.memory_space<semaphore_mem>>
      %dma_start3A = arith.constant 0 : i32
      %dma_start3A_40 = tpu.memref_slice %arg8[%add3A_8, %dma_start3A] : memref<10240x16xf32, #tpu.memory_space<vmem_shared>> -> memref<128x16xf32, #tpu.memory_space<vmem_shared>>
      %dma_start3A_41 = arith.constant 0 : i32
      %dma_start3A_42 = tpu.memref_slice %arg8[%add3A_8, %dma_start3A_41] : memref<10240x16xf32, #tpu.memory_space<vmem_shared>> -> memref<128x16xf32, #tpu.memory_space<vmem_shared>>
      tpu.enqueue_dma source(%arg7 : memref<128x16xf32, #tpu.memory_space<vmem>>) target(%dma_start3A_42 : memref<128x16xf32, #tpu.memory_space<vmem_shared>>) target_semaphore(%run_scoped3A : memref<!tpu.dma_semaphore, #tpu.memory_space<semaphore_mem>>)
      %dma_wait3A = arith.constant 0 : i32
      %dma_wait3A_43 = tpu.memref_slice %arg8[%add3A_8, %dma_wait3A] : memref<10240x16xf32, #tpu.memory_space<vmem_shared>> -> memref<128x16xf32, #tpu.memory_space<vmem_shared>>
      %dma_wait3A_44 = arith.constant 0 : i32
      %dma_wait3A_45 = tpu.memref_slice %arg8[%add3A_8, %dma_wait3A_44] : memref<10240x16xf32, #tpu.memory_space<vmem_shared>> -> memref<128x16xf32, #tpu.memory_space<vmem_shared>>
      tpu.wait_dma2 semaphore(%run_scoped3A : memref<!tpu.dma_semaphore, #tpu.memory_space<semaphore_mem>>) src(%arg7 : memref<128x16xf32, #tpu.memory_space<vmem>>) dst(%dma_wait3A_45 : memref<128x16xf32, #tpu.memory_space<vmem_shared>>)
      tpu.yield
    }) : () -> ()
    %mul3A_9 = arith.constant 640 : i32
    %mul3A_10 = arith.muli %arg1, %mul3A_9 : i32
    %add3A_11 = arith.constant 128 : i32
    %add3A_12 = arith.addi %mul3A_10, %add3A_11 : i32
    "tpu.region"() ({
      %run_scoped3A = tpu.sem_alloc : memref<!tpu.dma_semaphore, #tpu.memory_space<semaphore_mem>>
      %dma_start3A = arith.constant 0 : i32
      %dma_start3A_40 = tpu.memref_slice %arg8[%add3A_12, %dma_start3A] : memref<10240x16xf32, #tpu.memory_space<vmem_shared>> -> memref<128x16xf32, #tpu.memory_space<vmem_shared>>
      %dma_start3A_41 = arith.constant 0 : i32
      %dma_start3A_42 = tpu.memref_slice %arg8[%add3A_12, %dma_start3A_41] : memref<10240x16xf32, #tpu.memory_space<vmem_shared>> -> memref<128x16xf32, #tpu.memory_space<vmem_shared>>
      tpu.enqueue_dma source(%arg7 : memref<128x16xf32, #tpu.memory_space<vmem>>) target(%dma_start3A_42 : memref<128x16xf32, #tpu.memory_space<vmem_shared>>) target_semaphore(%run_scoped3A : memref<!tpu.dma_semaphore, #tpu.memory_space<semaphore_mem>>)
      %dma_wait3A = arith.constant 0 : i32
      %dma_wait3A_43 = tpu.memref_slice %arg8[%add3A_12, %dma_wait3A] : memref<10240x16xf32, #tpu.memory_space<vmem_shared>> -> memref<128x16xf32, #tpu.memory_space<vmem_shared>>
      %dma_wait3A_44 = arith.constant 0 : i32
      %dma_wait3A_45 = tpu.memref_slice %arg8[%add3A_12, %dma_wait3A_44] : memref<10240x16xf32, #tpu.memory_space<vmem_shared>> -> memref<128x16xf32, #tpu.memory_space<vmem_shared>>
      tpu.wait_dma2 semaphore(%run_scoped3A : memref<!tpu.dma_semaphore, #tpu.memory_space<semaphore_mem>>) src(%arg7 : memref<128x16xf32, #tpu.memory_space<vmem>>) dst(%dma_wait3A_45 : memref<128x16xf32, #tpu.memory_space<vmem_shared>>)
      tpu.yield
    }) : () -> ()
    %mul3A_13 = arith.constant 640 : i32
    %mul3A_14 = arith.muli %arg1, %mul3A_13 : i32
    %add3A_15 = arith.constant 256 : i32
    %add3A_16 = arith.addi %mul3A_14, %add3A_15 : i32
    "tpu.region"() ({
      %run_scoped3A = tpu.sem_alloc : memref<!tpu.dma_semaphore, #tpu.memory_space<semaphore_mem>>
      %dma_start3A = arith.constant 0 : i32
      %dma_start3A_40 = tpu.memref_slice %arg8[%add3A_16, %dma_start3A] : memref<10240x16xf32, #tpu.memory_space<vmem_shared>> -> memref<128x16xf32, #tpu.memory_space<vmem_shared>>
      %dma_start3A_41 = arith.constant 0 : i32
      %dma_start3A_42 = tpu.memref_slice %arg8[%add3A_16, %dma_start3A_41] : memref<10240x16xf32, #tpu.memory_space<vmem_shared>> -> memref<128x16xf32, #tpu.memory_space<vmem_shared>>
      tpu.enqueue_dma source(%arg7 : memref<128x16xf32, #tpu.memory_space<vmem>>) target(%dma_start3A_42 : memref<128x16xf32, #tpu.memory_space<vmem_shared>>) target_semaphore(%run_scoped3A : memref<!tpu.dma_semaphore, #tpu.memory_space<semaphore_mem>>)
      %dma_wait3A = arith.constant 0 : i32
      %dma_wait3A_43 = tpu.memref_slice %arg8[%add3A_16, %dma_wait3A] : memref<10240x16xf32, #tpu.memory_space<vmem_shared>> -> memref<128x16xf32, #tpu.memory_space<vmem_shared>>
      %dma_wait3A_44 = arith.constant 0 : i32
      %dma_wait3A_45 = tpu.memref_slice %arg8[%add3A_16, %dma_wait3A_44] : memref<10240x16xf32, #tpu.memory_space<vmem_shared>> -> memref<128x16xf32, #tpu.memory_space<vmem_shared>>
      tpu.wait_dma2 semaphore(%run_scoped3A : memref<!tpu.dma_semaphore, #tpu.memory_space<semaphore_mem>>) src(%arg7 : memref<128x16xf32, #tpu.memory_space<vmem>>) dst(%dma_wait3A_45 : memref<128x16xf32, #tpu.memory_space<vmem_shared>>)
      tpu.yield
    }) : () -> ()
    %mul3A_17 = arith.constant 640 : i32
    %mul3A_18 = arith.muli %arg1, %mul3A_17 : i32
    %add3A_19 = arith.constant 384 : i32
    %add3A_20 = arith.addi %mul3A_18, %add3A_19 : i32
    "tpu.region"() ({
      %run_scoped3A = tpu.sem_alloc : memref<!tpu.dma_semaphore, #tpu.memory_space<semaphore_mem>>
      %dma_start3A = arith.constant 0 : i32
      %dma_start3A_40 = tpu.memref_slice %arg8[%add3A_20, %dma_start3A] : memref<10240x16xf32, #tpu.memory_space<vmem_shared>> -> memref<128x16xf32, #tpu.memory_space<vmem_shared>>
      %dma_start3A_41 = arith.constant 0 : i32
      %dma_start3A_42 = tpu.memref_slice %arg8[%add3A_20, %dma_start3A_41] : memref<10240x16xf32, #tpu.memory_space<vmem_shared>> -> memref<128x16xf32, #tpu.memory_space<vmem_shared>>
      tpu.enqueue_dma source(%arg7 : memref<128x16xf32, #tpu.memory_space<vmem>>) target(%dma_start3A_42 : memref<128x16xf32, #tpu.memory_space<vmem_shared>>) target_semaphore(%run_scoped3A : memref<!tpu.dma_semaphore, #tpu.memory_space<semaphore_mem>>)
      %dma_wait3A = arith.constant 0 : i32
      %dma_wait3A_43 = tpu.memref_slice %arg8[%add3A_20, %dma_wait3A] : memref<10240x16xf32, #tpu.memory_space<vmem_shared>> -> memref<128x16xf32, #tpu.memory_space<vmem_shared>>
      %dma_wait3A_44 = arith.constant 0 : i32
      %dma_wait3A_45 = tpu.memref_slice %arg8[%add3A_20, %dma_wait3A_44] : memref<10240x16xf32, #tpu.memory_space<vmem_shared>> -> memref<128x16xf32, #tpu.memory_space<vmem_shared>>
      tpu.wait_dma2 semaphore(%run_scoped3A : memref<!tpu.dma_semaphore, #tpu.memory_space<semaphore_mem>>) src(%arg7 : memref<128x16xf32, #tpu.memory_space<vmem>>) dst(%dma_wait3A_45 : memref<128x16xf32, #tpu.memory_space<vmem_shared>>)
      tpu.yield
    }) : () -> ()
    %mul3A_21 = arith.constant 640 : i32
    %mul3A_22 = arith.muli %arg1, %mul3A_21 : i32
    %add3A_23 = arith.constant 512 : i32
    %add3A_24 = arith.addi %mul3A_22, %add3A_23 : i32
    "tpu.region"() ({
      %run_scoped3A = tpu.sem_alloc : memref<!tpu.dma_semaphore, #tpu.memory_space<semaphore_mem>>
      %dma_start3A = arith.constant 0 : i32
      %dma_start3A_40 = tpu.memref_slice %arg8[%add3A_24, %dma_start3A] : memref<10240x16xf32, #tpu.memory_space<vmem_shared>> -> memref<128x16xf32, #tpu.memory_space<vmem_shared>>
      %dma_start3A_41 = arith.constant 0 : i32
      %dma_start3A_42 = tpu.memref_slice %arg8[%add3A_24, %dma_start3A_41] : memref<10240x16xf32, #tpu.memory_space<vmem_shared>> -> memref<128x16xf32, #tpu.memory_space<vmem_shared>>
      tpu.enqueue_dma source(%arg7 : memref<128x16xf32, #tpu.memory_space<vmem>>) target(%dma_start3A_42 : memref<128x16xf32, #tpu.memory_space<vmem_shared>>) target_semaphore(%run_scoped3A : memref<!tpu.dma_semaphore, #tpu.memory_space<semaphore_mem>>)
      %dma_wait3A = arith.constant 0 : i32
      %dma_wait3A_43 = tpu.memref_slice %arg8[%add3A_24, %dma_wait3A] : memref<10240x16xf32, #tpu.memory_space<vmem_shared>> -> memref<128x16xf32, #tpu.memory_space<vmem_shared>>
      %dma_wait3A_44 = arith.constant 0 : i32
      %dma_wait3A_45 = tpu.memref_slice %arg8[%add3A_24, %dma_wait3A_44] : memref<10240x16xf32, #tpu.memory_space<vmem_shared>> -> memref<128x16xf32, #tpu.memory_space<vmem_shared>>
      tpu.wait_dma2 semaphore(%run_scoped3A : memref<!tpu.dma_semaphore, #tpu.memory_space<semaphore_mem>>) src(%arg7 : memref<128x16xf32, #tpu.memory_space<vmem>>) dst(%dma_wait3A_45 : memref<128x16xf32, #tpu.memory_space<vmem_shared>>)
      tpu.yield
    }) : () -> ()
    %barrier3A = arith.constant 0 : index
    tpu.barrier barrier_id(%barrier3A)
    "tpu.region"() ({
      %run_scoped3A = tpu.sem_alloc : memref<!tpu.dma_semaphore, #tpu.memory_space<semaphore_mem>>
      %dma_start3A = arith.constant 0 : i32
      %dma_start3A_40 = arith.constant 0 : i32
      %dma_start3A_41 = tpu.memref_slice %arg2[%add3A, %dma_start3A, %dma_start3A_40] : memref<32x40x128xi32, #tpu.memory_space<hbm>> -> memref<1x40x128xi32, #tpu.memory_space<hbm>>
      %dma_start3A_42 = tpu.memref_squeeze %dma_start3A_41 : memref<1x40x128xi32, #tpu.memory_space<hbm>> -> memref<40x128xi32, #tpu.memory_space<hbm>>
      %dma_start3A_43 = arith.constant 0 : i32
      %dma_start3A_44 = arith.constant 0 : i32
      %dma_start3A_45 = tpu.memref_slice %arg2[%add3A, %dma_start3A_43, %dma_start3A_44] : memref<32x40x128xi32, #tpu.memory_space<hbm>> -> memref<1x40x128xi32, #tpu.memory_space<hbm>>
      %dma_start3A_46 = tpu.memref_squeeze %dma_start3A_45 : memref<1x40x128xi32, #tpu.memory_space<hbm>> -> memref<40x128xi32, #tpu.memory_space<hbm>>
      tpu.enqueue_dma source(%dma_start3A_46 : memref<40x128xi32, #tpu.memory_space<hbm>>) target(%arg5 : memref<40x128xi32, #tpu.memory_space<vmem>>) target_semaphore(%run_scoped3A : memref<!tpu.dma_semaphore, #tpu.memory_space<semaphore_mem>>)
      %dma_wait3A = arith.constant 0 : i32
      %dma_wait3A_47 = arith.constant 0 : i32
      %dma_wait3A_48 = tpu.memref_slice %arg2[%add3A, %dma_wait3A, %dma_wait3A_47] : memref<32x40x128xi32, #tpu.memory_space<hbm>> -> memref<1x40x128xi32, #tpu.memory_space<hbm>>
      %dma_wait3A_49 = tpu.memref_squeeze %dma_wait3A_48 : memref<1x40x128xi32, #tpu.memory_space<hbm>> -> memref<40x128xi32, #tpu.memory_space<hbm>>
      %dma_wait3A_50 = arith.constant 0 : i32
      %dma_wait3A_51 = arith.constant 0 : i32
      %dma_wait3A_52 = tpu.memref_slice %arg2[%add3A, %dma_wait3A_50, %dma_wait3A_51] : memref<32x40x128xi32, #tpu.memory_space<hbm>> -> memref<1x40x128xi32, #tpu.memory_space<hbm>>
      %dma_wait3A_53 = tpu.memref_squeeze %dma_wait3A_52 : memref<1x40x128xi32, #tpu.memory_space<hbm>> -> memref<40x128xi32, #tpu.memory_space<hbm>>
      tpu.wait_dma2 semaphore(%run_scoped3A : memref<!tpu.dma_semaphore, #tpu.memory_space<semaphore_mem>>) src(%dma_wait3A_53 : memref<40x128xi32, #tpu.memory_space<hbm>>) dst(%arg5 : memref<40x128xi32, #tpu.memory_space<vmem>>)
      tpu.yield
    }) : () -> ()
    %scan3A_25 = arith.constant 0 : i32
    %scan3A_26 = arith.constant 40 : i32
    %scan3A_27 = arith.addi %scan3A_25, %scan3A_26 : i32
    %scan3A_28 = arith.constant 1 : i32
    scf.for %scan3A_40 = %scan3A_25 to %scan3A_27 step %scan3A_28  : i32 {
      %mul3A_41 = arith.constant 1 : i32
      %mul3A_42 = arith.muli %scan3A_40, %mul3A_41 : i32
      %add3A_43 = arith.constant 0 : i32
      %add3A_44 = arith.addi %add3A_43, %mul3A_42 : i32
      "tpu.region"() ({
        %run_scoped3A = tpu.sem_alloc : memref<!tpu.dma_semaphore, #tpu.memory_space<semaphore_mem>>
        %dma_start3A = arith.constant 0 : i32
        %dma_start3A_45 = tpu.memref_slice %arg5[%add3A_44, %dma_start3A] : memref<40x128xi32, #tpu.memory_space<vmem>> -> memref<1x128xi32, #tpu.memory_space<vmem>>
        %dma_start3A_46 = tpu.memref_squeeze %dma_start3A_45 : memref<1x128xi32, #tpu.memory_space<vmem>> -> memref<128xi32, #tpu.memory_space<vmem>>
        %dma_start3A_47 = arith.constant 0 : i32
        %dma_start3A_48 = arith.constant 0 : i32
        %dma_start3A_49 = tpu.memref_slice %arg8[%dma_start3A_47, %dma_start3A_48] : memref<10240x16xf32, #tpu.memory_space<vmem_shared>> -> memref<10240x16xf32, #tpu.memory_space<vmem_shared>>
        tpu.enqueue_indirect_dma source(%arg6 : memref<128x16xf32, #tpu.memory_space<vmem>>) target(%dma_start3A_49 : memref<10240x16xf32, #tpu.memory_space<vmem_shared>>) offsets(%dma_start3A_46 : memref<128xi32, #tpu.memory_space<vmem>>) semaphore(%run_scoped3A : memref<!tpu.dma_semaphore, #tpu.memory_space<semaphore_mem>>) {add = true}
        %dma_wait3A = arith.constant 0 : i32
        %dma_wait3A_50 = tpu.memref_slice %arg5[%add3A_44, %dma_wait3A] : memref<40x128xi32, #tpu.memory_space<vmem>> -> memref<1x128xi32, #tpu.memory_space<vmem>>
        %dma_wait3A_51 = tpu.memref_squeeze %dma_wait3A_50 : memref<1x128xi32, #tpu.memory_space<vmem>> -> memref<128xi32, #tpu.memory_space<vmem>>
        %dma_wait3A_52 = arith.constant 0 : i32
        %dma_wait3A_53 = arith.constant 0 : i32
        %dma_wait3A_54 = tpu.memref_slice %arg8[%dma_wait3A_52, %dma_wait3A_53] : memref<10240x16xf32, #tpu.memory_space<vmem_shared>> -> memref<10240x16xf32, #tpu.memory_space<vmem_shared>>
        tpu.wait_indirect_dma semaphore(%run_scoped3A : memref<!tpu.dma_semaphore, #tpu.memory_space<semaphore_mem>>) src(%arg6 : memref<128x16xf32, #tpu.memory_space<vmem>>) dst(%dma_wait3A_54 : memref<10240x16xf32, #tpu.memory_space<vmem_shared>>)
        tpu.yield
      }) : () -> ()
    }
    %scan3A_29 = arith.constant 40 : i32
    %barrier3A_30 = arith.constant 0 : index
    tpu.barrier barrier_id(%barrier3A_30)
    %mul3A_31 = arith.constant 640 : i32
    %mul3A_32 = arith.muli %arg1, %mul3A_31 : i32
    %eq3A = arith.constant 0 : i32
    %eq3A_33 = arith.cmpi eq, %arg0, %eq3A : i32
    %convert_element_type3A = arith.extui %eq3A_33 : i1 to i32
    %cond3A = arith.constant 0 : i32
    %cond3A_34 = arith.cmpi ne, %convert_element_type3A, %cond3A : i32
    scf.if %cond3A_34 {
      "tpu.region"() ({
        %run_scoped3A = tpu.sem_alloc : memref<!tpu.dma_semaphore, #tpu.memory_space<semaphore_mem>>
        %dma_start3A = arith.constant 0 : i32
        %dma_start3A_40 = tpu.memref_slice %arg3[%mul3A_32, %dma_start3A] : memref<10240x16xf32, #tpu.memory_space<hbm>> -> memref<640x16xf32, #tpu.memory_space<hbm>>
        %dma_start3A_41 = arith.constant 0 : i32
        %dma_start3A_42 = tpu.memref_slice %arg8[%mul3A_32, %dma_start3A_41] : memref<10240x16xf32, #tpu.memory_space<vmem_shared>> -> memref<640x16xf32, #tpu.memory_space<vmem_shared>>
        tpu.enqueue_dma source(%dma_start3A_42 : memref<640x16xf32, #tpu.memory_space<vmem_shared>>) target(%dma_start3A_40 : memref<640x16xf32, #tpu.memory_space<hbm>>) target_semaphore(%run_scoped3A : memref<!tpu.dma_semaphore, #tpu.memory_space<semaphore_mem>>)
        %dma_wait3A = arith.constant 0 : i32
        %dma_wait3A_43 = tpu.memref_slice %arg3[%mul3A_32, %dma_wait3A] : memref<10240x16xf32, #tpu.memory_space<hbm>> -> memref<640x16xf32, #tpu.memory_space<hbm>>
        %dma_wait3A_44 = arith.constant 0 : i32
        %dma_wait3A_45 = tpu.memref_slice %arg8[%mul3A_32, %dma_wait3A_44] : memref<10240x16xf32, #tpu.memory_space<vmem_shared>> -> memref<640x16xf32, #tpu.memory_space<vmem_shared>>
        tpu.wait_dma2 semaphore(%run_scoped3A : memref<!tpu.dma_semaphore, #tpu.memory_space<semaphore_mem>>) src(%dma_wait3A_45 : memref<640x16xf32, #tpu.memory_space<vmem_shared>>) dst(%dma_wait3A_43 : memref<640x16xf32, #tpu.memory_space<hbm>>)
        tpu.yield
      }) : () -> ()
    } else {
    }
    %eq3A_35 = arith.constant 1 : i32
    %eq3A_36 = arith.cmpi eq, %arg0, %eq3A_35 : i32
    %convert_element_type3A_37 = arith.extui %eq3A_36 : i1 to i32
    %cond3A_38 = arith.constant 0 : i32
    %cond3A_39 = arith.cmpi ne, %convert_element_type3A_37, %cond3A_38 : i32
    scf.if %cond3A_39 {
      "tpu.region"() ({
        %run_scoped3A = tpu.sem_alloc : memref<!tpu.dma_semaphore, #tpu.memory_space<semaphore_mem>>
        %dma_start3A = arith.constant 0 : i32
        %dma_start3A_40 = tpu.memref_slice %arg4[%mul3A_32, %dma_start3A] : memref<10240x16xf32, #tpu.memory_space<hbm>> -> memref<640x16xf32, #tpu.memory_space<hbm>>
        %dma_start3A_41 = arith.constant 0 : i32
        %dma_start3A_42 = tpu.memref_slice %arg8[%mul3A_32, %dma_start3A_41] : memref<10240x16xf32, #tpu.memory_space<vmem_shared>> -> memref<640x16xf32, #tpu.memory_space<vmem_shared>>
        tpu.enqueue_dma source(%dma_start3A_42 : memref<640x16xf32, #tpu.memory_space<vmem_shared>>) target(%dma_start3A_40 : memref<640x16xf32, #tpu.memory_space<hbm>>) target_semaphore(%run_scoped3A : memref<!tpu.dma_semaphore, #tpu.memory_space<semaphore_mem>>)
        %dma_wait3A = arith.constant 0 : i32
        %dma_wait3A_43 = tpu.memref_slice %arg4[%mul3A_32, %dma_wait3A] : memref<10240x16xf32, #tpu.memory_space<hbm>> -> memref<640x16xf32, #tpu.memory_space<hbm>>
        %dma_wait3A_44 = arith.constant 0 : i32
        %dma_wait3A_45 = tpu.memref_slice %arg8[%mul3A_32, %dma_wait3A_44] : memref<10240x16xf32, #tpu.memory_space<vmem_shared>> -> memref<640x16xf32, #tpu.memory_space<vmem_shared>>
        tpu.wait_dma2 semaphore(%run_scoped3A : memref<!tpu.dma_semaphore, #tpu.memory_space<semaphore_mem>>) src(%dma_wait3A_45 : memref<640x16xf32, #tpu.memory_space<vmem_shared>>) dst(%dma_wait3A_43 : memref<640x16xf32, #tpu.memory_space<hbm>>)
        tpu.yield
      }) : () -> ()
    } else {
    }
    return
  }
}

#map = affine_map<(d0, d1) -> (0, 0, 0)>
#map1 = affine_map<(d0, d1) -> (0, 0)>
module attributes {stable_mosaic.version = 14 : i64} {
  func.func @agg_kernel(%arg0: i32, %arg1: i32, %arg2: memref<32x40x128xi32, #tpu.memory_space<hbm>>, %arg3: memref<32x40x128xi32, #tpu.memory_space<hbm>>, %arg4: memref<10000x64xf32, #tpu.memory_space<hbm>>, %arg5: memref<10240x64xf32, #tpu.memory_space<hbm>>, %arg6: memref<10240x64xf32, #tpu.memory_space<hbm>>, %arg7: memref<40x128xi32, #tpu.memory_space<vmem>>, %arg8: memref<40x128xi32, #tpu.memory_space<vmem>>, %arg9: memref<128x64xf32, #tpu.memory_space<vmem>>, %arg10: memref<10240x64xf32, #tpu.memory_space<vmem_shared>>, %arg11: memref<!tpu.dma_semaphore, #tpu.memory_space<semaphore_mem>>) attributes {dimension_semantics = [#tpu.dimension_semantics<core_parallel>, #tpu.dimension_semantics<subcore_parallel>], iteration_bounds = array<i64: 2, 16>, scalar_prefetch = 0 : i64, scratch_operands = 5 : i64, tpu.core_type = #tpu.core_type<sc_vector_subcore>, window_params = [{transform_indices = #map}, {transform_indices = #map}, {transform_indices = #map1}, {transform_indices = #map1}, {transform_indices = #map1}]} {
    %mul3A = arith.constant 16 : i32
    %mul3A_0 = arith.muli %arg0, %mul3A : i32
    %add3A = arith.addi %mul3A_0, %arg1 : i32
    %scan3A = arith.constant 0 : i32
    %scan3A_1 = arith.constant 128 : i32
    %scan3A_2 = arith.addi %scan3A, %scan3A_1 : i32
    %scan3A_3 = arith.constant 1 : i32
    scf.for %scan3A_40 = %scan3A to %scan3A_2 step %scan3A_3  : i32 {
      %mul3A_41 = arith.constant 1 : i32
      %mul3A_42 = arith.muli %scan3A_40, %mul3A_41 : i32
      %add3A_43 = arith.constant 0 : i32
      %add3A_44 = arith.addi %add3A_43, %mul3A_42 : i32
      %scan3A_45 = arith.constant 0 : i32
      %scan3A_46 = arith.constant 4 : i32
      %scan3A_47 = arith.addi %scan3A_45, %scan3A_46 : i32
      %scan3A_48 = arith.constant 1 : i32
      scf.for %scan3A_50 = %scan3A_45 to %scan3A_47 step %scan3A_48  : i32 {
        %mul3A_51 = arith.constant 16 : i32
        %mul3A_52 = arith.muli %scan3A_50, %mul3A_51 : i32
        %add3A_53 = arith.constant 0 : i32
        %add3A_54 = arith.addi %add3A_53, %mul3A_52 : i32
        %broadcast_in_dim3A = arith.constant 0.000000e+00 : f32
        %broadcast_in_dim3A_55 = vector.broadcast %broadcast_in_dim3A : f32 to vector<16xf32>
        %swap3A = arith.index_cast %add3A_44 : i32 to index
        %swap3A_56 = arith.index_cast %add3A_54 : i32 to index
        %swap3A_57 = tpu.vector_load %arg9[%swap3A, %swap3A_56] {strides = array<i32>} : memref<128x64xf32, #tpu.memory_space<vmem>>, vector<1x16xf32>,
        %swap3A_58 = vector.shape_cast %swap3A_57 : vector<1x16xf32> to vector<16xf32>
        %swap3A_59 = vector.shape_cast %broadcast_in_dim3A_55 : vector<16xf32> to vector<1x16xf32>
        tpu.vector_store %arg9[%swap3A, %swap3A_56], %swap3A_59 {strides = array<i32>} : memref<128x64xf32, #tpu.memory_space<vmem>>, vector<1x16xf32>,
      }
      %scan3A_49 = arith.constant 4 : i32
    }
    %scan3A_4 = arith.constant 128 : i32
    %mul3A_5 = arith.constant 640 : i32
    %mul3A_6 = arith.muli %arg1, %mul3A_5 : i32
    %add3A_7 = arith.constant 0 : i32
    %add3A_8 = arith.addi %mul3A_6, %add3A_7 : i32
    "tpu.region"() ({
      %run_scoped3A = tpu.sem_alloc : memref<!tpu.dma_semaphore, #tpu.memory_space<semaphore_mem>>
      %dma_start3A = arith.constant 0 : i32
      %dma_start3A_40 = tpu.memref_slice %arg10[%add3A_8, %dma_start3A] : memref<10240x64xf32, #tpu.memory_space<vmem_shared>> -> memref<128x64xf32, #tpu.memory_space<vmem_shared>>
      %dma_start3A_41 = arith.constant 0 : i32
      %dma_start3A_42 = tpu.memref_slice %arg10[%add3A_8, %dma_start3A_41] : memref<10240x64xf32, #tpu.memory_space<vmem_shared>> -> memref<128x64xf32, #tpu.memory_space<vmem_shared>>
      tpu.enqueue_dma source(%arg9 : memref<128x64xf32, #tpu.memory_space<vmem>>) target(%dma_start3A_42 : memref<128x64xf32, #tpu.memory_space<vmem_shared>>) target_semaphore(%run_scoped3A : memref<!tpu.dma_semaphore, #tpu.memory_space<semaphore_mem>>)
      %dma_wait3A = arith.constant 0 : i32
      %dma_wait3A_43 = tpu.memref_slice %arg10[%add3A_8, %dma_wait3A] : memref<10240x64xf32, #tpu.memory_space<vmem_shared>> -> memref<128x64xf32, #tpu.memory_space<vmem_shared>>
      %dma_wait3A_44 = arith.constant 0 : i32
      %dma_wait3A_45 = tpu.memref_slice %arg10[%add3A_8, %dma_wait3A_44] : memref<10240x64xf32, #tpu.memory_space<vmem_shared>> -> memref<128x64xf32, #tpu.memory_space<vmem_shared>>
      tpu.wait_dma2 semaphore(%run_scoped3A : memref<!tpu.dma_semaphore, #tpu.memory_space<semaphore_mem>>) src(%arg9 : memref<128x64xf32, #tpu.memory_space<vmem>>) dst(%dma_wait3A_45 : memref<128x64xf32, #tpu.memory_space<vmem_shared>>)
      tpu.yield
    }) : () -> ()
    %mul3A_9 = arith.constant 640 : i32
    %mul3A_10 = arith.muli %arg1, %mul3A_9 : i32
    %add3A_11 = arith.constant 128 : i32
    %add3A_12 = arith.addi %mul3A_10, %add3A_11 : i32
    "tpu.region"() ({
      %run_scoped3A = tpu.sem_alloc : memref<!tpu.dma_semaphore, #tpu.memory_space<semaphore_mem>>
      %dma_start3A = arith.constant 0 : i32
      %dma_start3A_40 = tpu.memref_slice %arg10[%add3A_12, %dma_start3A] : memref<10240x64xf32, #tpu.memory_space<vmem_shared>> -> memref<128x64xf32, #tpu.memory_space<vmem_shared>>
      %dma_start3A_41 = arith.constant 0 : i32
      %dma_start3A_42 = tpu.memref_slice %arg10[%add3A_12, %dma_start3A_41] : memref<10240x64xf32, #tpu.memory_space<vmem_shared>> -> memref<128x64xf32, #tpu.memory_space<vmem_shared>>
      tpu.enqueue_dma source(%arg9 : memref<128x64xf32, #tpu.memory_space<vmem>>) target(%dma_start3A_42 : memref<128x64xf32, #tpu.memory_space<vmem_shared>>) target_semaphore(%run_scoped3A : memref<!tpu.dma_semaphore, #tpu.memory_space<semaphore_mem>>)
      %dma_wait3A = arith.constant 0 : i32
      %dma_wait3A_43 = tpu.memref_slice %arg10[%add3A_12, %dma_wait3A] : memref<10240x64xf32, #tpu.memory_space<vmem_shared>> -> memref<128x64xf32, #tpu.memory_space<vmem_shared>>
      %dma_wait3A_44 = arith.constant 0 : i32
      %dma_wait3A_45 = tpu.memref_slice %arg10[%add3A_12, %dma_wait3A_44] : memref<10240x64xf32, #tpu.memory_space<vmem_shared>> -> memref<128x64xf32, #tpu.memory_space<vmem_shared>>
      tpu.wait_dma2 semaphore(%run_scoped3A : memref<!tpu.dma_semaphore, #tpu.memory_space<semaphore_mem>>) src(%arg9 : memref<128x64xf32, #tpu.memory_space<vmem>>) dst(%dma_wait3A_45 : memref<128x64xf32, #tpu.memory_space<vmem_shared>>)
      tpu.yield
    }) : () -> ()
    %mul3A_13 = arith.constant 640 : i32
    %mul3A_14 = arith.muli %arg1, %mul3A_13 : i32
    %add3A_15 = arith.constant 256 : i32
    %add3A_16 = arith.addi %mul3A_14, %add3A_15 : i32
    "tpu.region"() ({
      %run_scoped3A = tpu.sem_alloc : memref<!tpu.dma_semaphore, #tpu.memory_space<semaphore_mem>>
      %dma_start3A = arith.constant 0 : i32
      %dma_start3A_40 = tpu.memref_slice %arg10[%add3A_16, %dma_start3A] : memref<10240x64xf32, #tpu.memory_space<vmem_shared>> -> memref<128x64xf32, #tpu.memory_space<vmem_shared>>
      %dma_start3A_41 = arith.constant 0 : i32
      %dma_start3A_42 = tpu.memref_slice %arg10[%add3A_16, %dma_start3A_41] : memref<10240x64xf32, #tpu.memory_space<vmem_shared>> -> memref<128x64xf32, #tpu.memory_space<vmem_shared>>
      tpu.enqueue_dma source(%arg9 : memref<128x64xf32, #tpu.memory_space<vmem>>) target(%dma_start3A_42 : memref<128x64xf32, #tpu.memory_space<vmem_shared>>) target_semaphore(%run_scoped3A : memref<!tpu.dma_semaphore, #tpu.memory_space<semaphore_mem>>)
      %dma_wait3A = arith.constant 0 : i32
      %dma_wait3A_43 = tpu.memref_slice %arg10[%add3A_16, %dma_wait3A] : memref<10240x64xf32, #tpu.memory_space<vmem_shared>> -> memref<128x64xf32, #tpu.memory_space<vmem_shared>>
      %dma_wait3A_44 = arith.constant 0 : i32
      %dma_wait3A_45 = tpu.memref_slice %arg10[%add3A_16, %dma_wait3A_44] : memref<10240x64xf32, #tpu.memory_space<vmem_shared>> -> memref<128x64xf32, #tpu.memory_space<vmem_shared>>
      tpu.wait_dma2 semaphore(%run_scoped3A : memref<!tpu.dma_semaphore, #tpu.memory_space<semaphore_mem>>) src(%arg9 : memref<128x64xf32, #tpu.memory_space<vmem>>) dst(%dma_wait3A_45 : memref<128x64xf32, #tpu.memory_space<vmem_shared>>)
      tpu.yield
    }) : () -> ()
    %mul3A_17 = arith.constant 640 : i32
    %mul3A_18 = arith.muli %arg1, %mul3A_17 : i32
    %add3A_19 = arith.constant 384 : i32
    %add3A_20 = arith.addi %mul3A_18, %add3A_19 : i32
    "tpu.region"() ({
      %run_scoped3A = tpu.sem_alloc : memref<!tpu.dma_semaphore, #tpu.memory_space<semaphore_mem>>
      %dma_start3A = arith.constant 0 : i32
      %dma_start3A_40 = tpu.memref_slice %arg10[%add3A_20, %dma_start3A] : memref<10240x64xf32, #tpu.memory_space<vmem_shared>> -> memref<128x64xf32, #tpu.memory_space<vmem_shared>>
      %dma_start3A_41 = arith.constant 0 : i32
      %dma_start3A_42 = tpu.memref_slice %arg10[%add3A_20, %dma_start3A_41] : memref<10240x64xf32, #tpu.memory_space<vmem_shared>> -> memref<128x64xf32, #tpu.memory_space<vmem_shared>>
      tpu.enqueue_dma source(%arg9 : memref<128x64xf32, #tpu.memory_space<vmem>>) target(%dma_start3A_42 : memref<128x64xf32, #tpu.memory_space<vmem_shared>>) target_semaphore(%run_scoped3A : memref<!tpu.dma_semaphore, #tpu.memory_space<semaphore_mem>>)
      %dma_wait3A = arith.constant 0 : i32
      %dma_wait3A_43 = tpu.memref_slice %arg10[%add3A_20, %dma_wait3A] : memref<10240x64xf32, #tpu.memory_space<vmem_shared>> -> memref<128x64xf32, #tpu.memory_space<vmem_shared>>
      %dma_wait3A_44 = arith.constant 0 : i32
      %dma_wait3A_45 = tpu.memref_slice %arg10[%add3A_20, %dma_wait3A_44] : memref<10240x64xf32, #tpu.memory_space<vmem_shared>> -> memref<128x64xf32, #tpu.memory_space<vmem_shared>>
      tpu.wait_dma2 semaphore(%run_scoped3A : memref<!tpu.dma_semaphore, #tpu.memory_space<semaphore_mem>>) src(%arg9 : memref<128x64xf32, #tpu.memory_space<vmem>>) dst(%dma_wait3A_45 : memref<128x64xf32, #tpu.memory_space<vmem_shared>>)
      tpu.yield
    }) : () -> ()
    %mul3A_21 = arith.constant 640 : i32
    %mul3A_22 = arith.muli %arg1, %mul3A_21 : i32
    %add3A_23 = arith.constant 512 : i32
    %add3A_24 = arith.addi %mul3A_22, %add3A_23 : i32
    "tpu.region"() ({
      %run_scoped3A = tpu.sem_alloc : memref<!tpu.dma_semaphore, #tpu.memory_space<semaphore_mem>>
      %dma_start3A = arith.constant 0 : i32
      %dma_start3A_40 = tpu.memref_slice %arg10[%add3A_24, %dma_start3A] : memref<10240x64xf32, #tpu.memory_space<vmem_shared>> -> memref<128x64xf32, #tpu.memory_space<vmem_shared>>
      %dma_start3A_41 = arith.constant 0 : i32
      %dma_start3A_42 = tpu.memref_slice %arg10[%add3A_24, %dma_start3A_41] : memref<10240x64xf32, #tpu.memory_space<vmem_shared>> -> memref<128x64xf32, #tpu.memory_space<vmem_shared>>
      tpu.enqueue_dma source(%arg9 : memref<128x64xf32, #tpu.memory_space<vmem>>) target(%dma_start3A_42 : memref<128x64xf32, #tpu.memory_space<vmem_shared>>) target_semaphore(%run_scoped3A : memref<!tpu.dma_semaphore, #tpu.memory_space<semaphore_mem>>)
      %dma_wait3A = arith.constant 0 : i32
      %dma_wait3A_43 = tpu.memref_slice %arg10[%add3A_24, %dma_wait3A] : memref<10240x64xf32, #tpu.memory_space<vmem_shared>> -> memref<128x64xf32, #tpu.memory_space<vmem_shared>>
      %dma_wait3A_44 = arith.constant 0 : i32
      %dma_wait3A_45 = tpu.memref_slice %arg10[%add3A_24, %dma_wait3A_44] : memref<10240x64xf32, #tpu.memory_space<vmem_shared>> -> memref<128x64xf32, #tpu.memory_space<vmem_shared>>
      tpu.wait_dma2 semaphore(%run_scoped3A : memref<!tpu.dma_semaphore, #tpu.memory_space<semaphore_mem>>) src(%arg9 : memref<128x64xf32, #tpu.memory_space<vmem>>) dst(%dma_wait3A_45 : memref<128x64xf32, #tpu.memory_space<vmem_shared>>)
      tpu.yield
    }) : () -> ()
    %barrier3A = arith.constant 0 : index
    tpu.barrier barrier_id(%barrier3A)
    "tpu.region"() ({
      %run_scoped3A = tpu.sem_alloc : memref<!tpu.dma_semaphore, #tpu.memory_space<semaphore_mem>>
      %dma_start3A = arith.constant 0 : i32
      %dma_start3A_40 = arith.constant 0 : i32
      %dma_start3A_41 = tpu.memref_slice %arg2[%add3A, %dma_start3A, %dma_start3A_40] : memref<32x40x128xi32, #tpu.memory_space<hbm>> -> memref<1x40x128xi32, #tpu.memory_space<hbm>>
      %dma_start3A_42 = tpu.memref_squeeze %dma_start3A_41 : memref<1x40x128xi32, #tpu.memory_space<hbm>> -> memref<40x128xi32, #tpu.memory_space<hbm>>
      %dma_start3A_43 = arith.constant 0 : i32
      %dma_start3A_44 = arith.constant 0 : i32
      %dma_start3A_45 = tpu.memref_slice %arg2[%add3A, %dma_start3A_43, %dma_start3A_44] : memref<32x40x128xi32, #tpu.memory_space<hbm>> -> memref<1x40x128xi32, #tpu.memory_space<hbm>>
      %dma_start3A_46 = tpu.memref_squeeze %dma_start3A_45 : memref<1x40x128xi32, #tpu.memory_space<hbm>> -> memref<40x128xi32, #tpu.memory_space<hbm>>
      tpu.enqueue_dma source(%dma_start3A_46 : memref<40x128xi32, #tpu.memory_space<hbm>>) target(%arg7 : memref<40x128xi32, #tpu.memory_space<vmem>>) target_semaphore(%run_scoped3A : memref<!tpu.dma_semaphore, #tpu.memory_space<semaphore_mem>>)
      %dma_wait3A = arith.constant 0 : i32
      %dma_wait3A_47 = arith.constant 0 : i32
      %dma_wait3A_48 = tpu.memref_slice %arg2[%add3A, %dma_wait3A, %dma_wait3A_47] : memref<32x40x128xi32, #tpu.memory_space<hbm>> -> memref<1x40x128xi32, #tpu.memory_space<hbm>>
      %dma_wait3A_49 = tpu.memref_squeeze %dma_wait3A_48 : memref<1x40x128xi32, #tpu.memory_space<hbm>> -> memref<40x128xi32, #tpu.memory_space<hbm>>
      %dma_wait3A_50 = arith.constant 0 : i32
      %dma_wait3A_51 = arith.constant 0 : i32
      %dma_wait3A_52 = tpu.memref_slice %arg2[%add3A, %dma_wait3A_50, %dma_wait3A_51] : memref<32x40x128xi32, #tpu.memory_space<hbm>> -> memref<1x40x128xi32, #tpu.memory_space<hbm>>
      %dma_wait3A_53 = tpu.memref_squeeze %dma_wait3A_52 : memref<1x40x128xi32, #tpu.memory_space<hbm>> -> memref<40x128xi32, #tpu.memory_space<hbm>>
      tpu.wait_dma2 semaphore(%run_scoped3A : memref<!tpu.dma_semaphore, #tpu.memory_space<semaphore_mem>>) src(%dma_wait3A_53 : memref<40x128xi32, #tpu.memory_space<hbm>>) dst(%arg7 : memref<40x128xi32, #tpu.memory_space<vmem>>)
      tpu.yield
    }) : () -> ()
    "tpu.region"() ({
      %run_scoped3A = tpu.sem_alloc : memref<!tpu.dma_semaphore, #tpu.memory_space<semaphore_mem>>
      %dma_start3A = arith.constant 0 : i32
      %dma_start3A_40 = arith.constant 0 : i32
      %dma_start3A_41 = tpu.memref_slice %arg3[%add3A, %dma_start3A, %dma_start3A_40] : memref<32x40x128xi32, #tpu.memory_space<hbm>> -> memref<1x40x128xi32, #tpu.memory_space<hbm>>
      %dma_start3A_42 = tpu.memref_squeeze %dma_start3A_41 : memref<1x40x128xi32, #tpu.memory_space<hbm>> -> memref<40x128xi32, #tpu.memory_space<hbm>>
      %dma_start3A_43 = arith.constant 0 : i32
      %dma_start3A_44 = arith.constant 0 : i32
      %dma_start3A_45 = tpu.memref_slice %arg3[%add3A, %dma_start3A_43, %dma_start3A_44] : memref<32x40x128xi32, #tpu.memory_space<hbm>> -> memref<1x40x128xi32, #tpu.memory_space<hbm>>
      %dma_start3A_46 = tpu.memref_squeeze %dma_start3A_45 : memref<1x40x128xi32, #tpu.memory_space<hbm>> -> memref<40x128xi32, #tpu.memory_space<hbm>>
      tpu.enqueue_dma source(%dma_start3A_46 : memref<40x128xi32, #tpu.memory_space<hbm>>) target(%arg8 : memref<40x128xi32, #tpu.memory_space<vmem>>) target_semaphore(%run_scoped3A : memref<!tpu.dma_semaphore, #tpu.memory_space<semaphore_mem>>)
      %dma_wait3A = arith.constant 0 : i32
      %dma_wait3A_47 = arith.constant 0 : i32
      %dma_wait3A_48 = tpu.memref_slice %arg3[%add3A, %dma_wait3A, %dma_wait3A_47] : memref<32x40x128xi32, #tpu.memory_space<hbm>> -> memref<1x40x128xi32, #tpu.memory_space<hbm>>
      %dma_wait3A_49 = tpu.memref_squeeze %dma_wait3A_48 : memref<1x40x128xi32, #tpu.memory_space<hbm>> -> memref<40x128xi32, #tpu.memory_space<hbm>>
      %dma_wait3A_50 = arith.constant 0 : i32
      %dma_wait3A_51 = arith.constant 0 : i32
      %dma_wait3A_52 = tpu.memref_slice %arg3[%add3A, %dma_wait3A_50, %dma_wait3A_51] : memref<32x40x128xi32, #tpu.memory_space<hbm>> -> memref<1x40x128xi32, #tpu.memory_space<hbm>>
      %dma_wait3A_53 = tpu.memref_squeeze %dma_wait3A_52 : memref<1x40x128xi32, #tpu.memory_space<hbm>> -> memref<40x128xi32, #tpu.memory_space<hbm>>
      tpu.wait_dma2 semaphore(%run_scoped3A : memref<!tpu.dma_semaphore, #tpu.memory_space<semaphore_mem>>) src(%dma_wait3A_53 : memref<40x128xi32, #tpu.memory_space<hbm>>) dst(%arg8 : memref<40x128xi32, #tpu.memory_space<vmem>>)
      tpu.yield
    }) : () -> ()
    %scan3A_25 = arith.constant 0 : i32
    %scan3A_26 = arith.constant 40 : i32
    %scan3A_27 = arith.addi %scan3A_25, %scan3A_26 : i32
    %scan3A_28 = arith.constant 1 : i32
    scf.for %scan3A_40 = %scan3A_25 to %scan3A_27 step %scan3A_28  : i32 {
      %mul3A_41 = arith.constant 1 : i32
      %mul3A_42 = arith.muli %scan3A_40, %mul3A_41 : i32
      %add3A_43 = arith.constant 0 : i32
      %add3A_44 = arith.addi %add3A_43, %mul3A_42 : i32
      %dma_start3A = arith.constant 0 : i32
      %dma_start3A_45 = tpu.memref_slice %arg7[%add3A_44, %dma_start3A] : memref<40x128xi32, #tpu.memory_space<vmem>> -> memref<1x128xi32, #tpu.memory_space<vmem>>
      %dma_start3A_46 = tpu.memref_squeeze %dma_start3A_45 : memref<1x128xi32, #tpu.memory_space<vmem>> -> memref<128xi32, #tpu.memory_space<vmem>>
      %dma_start3A_47 = arith.constant 0 : i32
      %dma_start3A_48 = arith.constant 0 : i32
      %dma_start3A_49 = tpu.memref_slice %arg4[%dma_start3A_47, %dma_start3A_48] : memref<10000x64xf32, #tpu.memory_space<hbm>> -> memref<10000x64xf32, #tpu.memory_space<hbm>>
      tpu.enqueue_indirect_dma source(%dma_start3A_49 : memref<10000x64xf32, #tpu.memory_space<hbm>>) target(%arg9 : memref<128x64xf32, #tpu.memory_space<vmem>>) offsets(%dma_start3A_46 : memref<128xi32, #tpu.memory_space<vmem>>) semaphore(%arg11 : memref<!tpu.dma_semaphore, #tpu.memory_space<semaphore_mem>>)
      %dma_wait3A = arith.constant 0 : i32
      %dma_wait3A_50 = tpu.memref_slice %arg7[%add3A_44, %dma_wait3A] : memref<40x128xi32, #tpu.memory_space<vmem>> -> memref<1x128xi32, #tpu.memory_space<vmem>>
      %dma_wait3A_51 = tpu.memref_squeeze %dma_wait3A_50 : memref<1x128xi32, #tpu.memory_space<vmem>> -> memref<128xi32, #tpu.memory_space<vmem>>
      %dma_wait3A_52 = arith.constant 0 : i32
      %dma_wait3A_53 = arith.constant 0 : i32
      %dma_wait3A_54 = tpu.memref_slice %arg4[%dma_wait3A_52, %dma_wait3A_53] : memref<10000x64xf32, #tpu.memory_space<hbm>> -> memref<10000x64xf32, #tpu.memory_space<hbm>>
      tpu.wait_indirect_dma semaphore(%arg11 : memref<!tpu.dma_semaphore, #tpu.memory_space<semaphore_mem>>) src(%dma_wait3A_54 : memref<10000x64xf32, #tpu.memory_space<hbm>>) dst(%arg9 : memref<128x64xf32, #tpu.memory_space<vmem>>)
      "tpu.region"() ({
        %run_scoped3A = tpu.sem_alloc : memref<!tpu.dma_semaphore, #tpu.memory_space<semaphore_mem>>
        %dma_start3A_55 = arith.constant 0 : i32
        %dma_start3A_56 = tpu.memref_slice %arg8[%add3A_44, %dma_start3A_55] : memref<40x128xi32, #tpu.memory_space<vmem>> -> memref<1x128xi32, #tpu.memory_space<vmem>>
        %dma_start3A_57 = tpu.memref_squeeze %dma_start3A_56 : memref<1x128xi32, #tpu.memory_space<vmem>> -> memref<128xi32, #tpu.memory_space<vmem>>
        %dma_start3A_58 = arith.constant 0 : i32
        %dma_start3A_59 = arith.constant 0 : i32
        %dma_start3A_60 = tpu.memref_slice %arg10[%dma_start3A_58, %dma_start3A_59] : memref<10240x64xf32, #tpu.memory_space<vmem_shared>> -> memref<10240x64xf32, #tpu.memory_space<vmem_shared>>
        tpu.enqueue_indirect_dma source(%arg9 : memref<128x64xf32, #tpu.memory_space<vmem>>) target(%dma_start3A_60 : memref<10240x64xf32, #tpu.memory_space<vmem_shared>>) offsets(%dma_start3A_57 : memref<128xi32, #tpu.memory_space<vmem>>) semaphore(%run_scoped3A : memref<!tpu.dma_semaphore, #tpu.memory_space<semaphore_mem>>) {add = true}
        %dma_wait3A_61 = arith.constant 0 : i32
        %dma_wait3A_62 = tpu.memref_slice %arg8[%add3A_44, %dma_wait3A_61] : memref<40x128xi32, #tpu.memory_space<vmem>> -> memref<1x128xi32, #tpu.memory_space<vmem>>
        %dma_wait3A_63 = tpu.memref_squeeze %dma_wait3A_62 : memref<1x128xi32, #tpu.memory_space<vmem>> -> memref<128xi32, #tpu.memory_space<vmem>>
        %dma_wait3A_64 = arith.constant 0 : i32
        %dma_wait3A_65 = arith.constant 0 : i32
        %dma_wait3A_66 = tpu.memref_slice %arg10[%dma_wait3A_64, %dma_wait3A_65] : memref<10240x64xf32, #tpu.memory_space<vmem_shared>> -> memref<10240x64xf32, #tpu.memory_space<vmem_shared>>
        tpu.wait_indirect_dma semaphore(%run_scoped3A : memref<!tpu.dma_semaphore, #tpu.memory_space<semaphore_mem>>) src(%arg9 : memref<128x64xf32, #tpu.memory_space<vmem>>) dst(%dma_wait3A_66 : memref<10240x64xf32, #tpu.memory_space<vmem_shared>>)
        tpu.yield
      }) : () -> ()
    }
    %scan3A_29 = arith.constant 40 : i32
    %barrier3A_30 = arith.constant 0 : index
    tpu.barrier barrier_id(%barrier3A_30)
    %mul3A_31 = arith.constant 640 : i32
    %mul3A_32 = arith.muli %arg1, %mul3A_31 : i32
    %eq3A = arith.constant 0 : i32
    %eq3A_33 = arith.cmpi eq, %arg0, %eq3A : i32
    %convert_element_type3A = arith.extui %eq3A_33 : i1 to i32
    %cond3A = arith.constant 0 : i32
    %cond3A_34 = arith.cmpi ne, %convert_element_type3A, %cond3A : i32
    scf.if %cond3A_34 {
      "tpu.region"() ({
        %run_scoped3A = tpu.sem_alloc : memref<!tpu.dma_semaphore, #tpu.memory_space<semaphore_mem>>
        %dma_start3A = arith.constant 0 : i32
        %dma_start3A_40 = tpu.memref_slice %arg5[%mul3A_32, %dma_start3A] : memref<10240x64xf32, #tpu.memory_space<hbm>> -> memref<640x64xf32, #tpu.memory_space<hbm>>
        %dma_start3A_41 = arith.constant 0 : i32
        %dma_start3A_42 = tpu.memref_slice %arg10[%mul3A_32, %dma_start3A_41] : memref<10240x64xf32, #tpu.memory_space<vmem_shared>> -> memref<640x64xf32, #tpu.memory_space<vmem_shared>>
        tpu.enqueue_dma source(%dma_start3A_42 : memref<640x64xf32, #tpu.memory_space<vmem_shared>>) target(%dma_start3A_40 : memref<640x64xf32, #tpu.memory_space<hbm>>) target_semaphore(%run_scoped3A : memref<!tpu.dma_semaphore, #tpu.memory_space<semaphore_mem>>)
        %dma_wait3A = arith.constant 0 : i32
        %dma_wait3A_43 = tpu.memref_slice %arg5[%mul3A_32, %dma_wait3A] : memref<10240x64xf32, #tpu.memory_space<hbm>> -> memref<640x64xf32, #tpu.memory_space<hbm>>
        %dma_wait3A_44 = arith.constant 0 : i32
        %dma_wait3A_45 = tpu.memref_slice %arg10[%mul3A_32, %dma_wait3A_44] : memref<10240x64xf32, #tpu.memory_space<vmem_shared>> -> memref<640x64xf32, #tpu.memory_space<vmem_shared>>
        tpu.wait_dma2 semaphore(%run_scoped3A : memref<!tpu.dma_semaphore, #tpu.memory_space<semaphore_mem>>) src(%dma_wait3A_45 : memref<640x64xf32, #tpu.memory_space<vmem_shared>>) dst(%dma_wait3A_43 : memref<640x64xf32, #tpu.memory_space<hbm>>)
        tpu.yield
      }) : () -> ()
    } else {
    }
    %eq3A_35 = arith.constant 1 : i32
    %eq3A_36 = arith.cmpi eq, %arg0, %eq3A_35 : i32
    %convert_element_type3A_37 = arith.extui %eq3A_36 : i1 to i32
    %cond3A_38 = arith.constant 0 : i32
    %cond3A_39 = arith.cmpi ne, %convert_element_type3A_37, %cond3A_38 : i32
    scf.if %cond3A_39 {
      "tpu.region"() ({
        %run_scoped3A = tpu.sem_alloc : memref<!tpu.dma_semaphore, #tpu.memory_space<semaphore_mem>>
        %dma_start3A = arith.constant 0 : i32
        %dma_start3A_40 = tpu.memref_slice %arg6[%mul3A_32, %dma_start3A] : memref<10240x64xf32, #tpu.memory_space<hbm>> -> memref<640x64xf32, #tpu.memory_space<hbm>>
        %dma_start3A_41 = arith.constant 0 : i32
        %dma_start3A_42 = tpu.memref_slice %arg10[%mul3A_32, %dma_start3A_41] : memref<10240x64xf32, #tpu.memory_space<vmem_shared>> -> memref<640x64xf32, #tpu.memory_space<vmem_shared>>
        tpu.enqueue_dma source(%dma_start3A_42 : memref<640x64xf32, #tpu.memory_space<vmem_shared>>) target(%dma_start3A_40 : memref<640x64xf32, #tpu.memory_space<hbm>>) target_semaphore(%run_scoped3A : memref<!tpu.dma_semaphore, #tpu.memory_space<semaphore_mem>>)
        %dma_wait3A = arith.constant 0 : i32
        %dma_wait3A_43 = tpu.memref_slice %arg6[%mul3A_32, %dma_wait3A] : memref<10240x64xf32, #tpu.memory_space<hbm>> -> memref<640x64xf32, #tpu.memory_space<hbm>>
        %dma_wait3A_44 = arith.constant 0 : i32
        %dma_wait3A_45 = tpu.memref_slice %arg10[%mul3A_32, %dma_wait3A_44] : memref<10240x64xf32, #tpu.memory_space<vmem_shared>> -> memref<640x64xf32, #tpu.memory_space<vmem_shared>>
        tpu.wait_dma2 semaphore(%run_scoped3A : memref<!tpu.dma_semaphore, #tpu.memory_space<semaphore_mem>>) src(%dma_wait3A_45 : memref<640x64xf32, #tpu.memory_space<vmem_shared>>) dst(%dma_wait3A_43 : memref<640x64xf32, #tpu.memory_space<hbm>>)
        tpu.yield
      }) : () -> ()
    } else {
    }
    return
  }
}

module attributes {stable_mosaic.version = 14 : i64} {
  func.func @body(%arg0: i32, %arg1: memref<2000x16xf32, #tpu.memory_space<vmem>>, %arg2: memref<2000x16xf32, #tpu.memory_space<vmem>>, %arg3: memref<2000x256xf32, #tpu.memory_space<vmem>>, %arg4: memref<2000x128xf32, #tpu.memory_space<vmem>>, %arg5: memref<2000x128xf32, #tpu.memory_space<vmem>>) attributes {dimension_semantics = [#tpu.dimension_semantics<parallel>], iteration_bounds = array<i64: 5>, scalar_prefetch = 0 : i64, scratch_operands = 0 : i64, tpu.core_type = #tpu.core_type<tc>, window_params = [{transform_indices = @transform_0, window_bounds = array<i64: 2000, 16>}, {transform_indices = @transform_1, window_bounds = array<i64: 2000, 16>}, {transform_indices = @transform_2, window_bounds = array<i64: 2000, 256>}, {transform_indices = @transform_3, window_bounds = array<i64: 2000, 128>}, {transform_indices = @transform_4, window_bounds = array<i64: 2000, 128>}]} {
    %get3A = arith.constant 0 : index
    %get3A_0 = arith.constant 0 : index
    %get3A_1 = vector.load %arg1[%get3A, %get3A_0] : memref<2000x16xf32, #tpu.memory_space<vmem>>, vector<2000x1xf32>
    %get3A_2 = arith.constant 0 : index
    %get3A_3 = arith.constant 0 : index
    %get3A_4 = vector.load %arg2[%get3A_2, %get3A_3] : memref<2000x16xf32, #tpu.memory_space<vmem>>, vector<2000x1xf32>
    %add3A = arith.addf %get3A_1, %get3A_4 : vector<2000x1xf32>
    %add3A_5 = arith.constant 1.000000e+00 : f32
    %add3A_6 = vector.broadcast %add3A_5 : f32 to vector<2000x1xf32>
    %add3A_7 = arith.addf %add3A, %add3A_6 : vector<2000x1xf32>
    %rsqrt3A = math.rsqrt %add3A_7 : vector<2000x1xf32>
    %get3A_8 = arith.constant 0 : index
    %get3A_9 = arith.constant 0 : index
    %get3A_10 = vector.load %arg3[%get3A_8, %get3A_9] : memref<2000x256xf32, #tpu.memory_space<vmem>>, vector<2000x256xf32>
    %mul3A = vector.broadcast %rsqrt3A : vector<2000x1xf32> to vector<2000x256xf32>
    %mul3A_11 = arith.mulf %get3A_10, %mul3A : vector<2000x256xf32>
    %slice3A = vector.extract_strided_slice %mul3A_11 {offsets = [0, 0], sizes = [2000, 128], strides = [1, 1]} : vector<2000x256xf32> to vector<2000x128xf32>
    %swap3A = arith.constant 0 : index
    %swap3A_12 = arith.constant 0 : index
    %swap3A_13 = vector.load %arg4[%swap3A, %swap3A_12] : memref<2000x128xf32, #tpu.memory_space<vmem>>, vector<2000x128xf32>
    tpu.vector_store %arg4[%swap3A, %swap3A_12], %slice3A {strides = array<i32>} : memref<2000x128xf32, #tpu.memory_space<vmem>>, vector<2000x128xf32>,
    %slice3A_14 = vector.extract_strided_slice %mul3A_11 {offsets = [0, 128], sizes = [2000, 128], strides = [1, 1]} : vector<2000x256xf32> to vector<2000x128xf32>
    %swap3A_15 = arith.constant 0 : index
    %swap3A_16 = arith.constant 0 : index
    %swap3A_17 = vector.load %arg5[%swap3A_15, %swap3A_16] : memref<2000x128xf32, #tpu.memory_space<vmem>>, vector<2000x128xf32>
    tpu.vector_store %arg5[%swap3A_15, %swap3A_16], %slice3A_14 {strides = array<i32>} : memref<2000x128xf32, #tpu.memory_space<vmem>>, vector<2000x128xf32>,
    return
  }
  func.func @transform_0(%arg0: i32) -> (i32, i32) {
    %c0_i32 = arith.constant 0 : i32
    %c0_i32_0 = arith.constant 0 : i32
    return %arg0, %c0_i32 : i32, i32
  }
  func.func @transform_1(%arg0: i32) -> (i32, i32) {
    %c0_i32 = arith.constant 0 : i32
    %c0_i32_0 = arith.constant 0 : i32
    return %arg0, %c0_i32 : i32, i32
  }
  func.func @transform_2(%arg0: i32) -> (i32, i32) {
    %c0_i32 = arith.constant 0 : i32
    %c0_i32_0 = arith.constant 0 : i32
    return %arg0, %c0_i32 : i32, i32
  }
  func.func @transform_3(%arg0: i32) -> (i32, i32) {
    %c0_i32 = arith.constant 0 : i32
    %c0_i32_0 = arith.constant 0 : i32
    return %arg0, %c0_i32 : i32, i32
  }
  func.func @transform_4(%arg0: i32) -> (i32, i32) {
    %c0_i32 = arith.constant 0 : i32
    %c0_i32_0 = arith.constant 0 : i32
    return %arg0, %c0_i32 : i32, i32
  }
}

module attributes {stable_mosaic.version = 14 : i64} {
  func.func @body(%arg0: i32, %arg1: memref<1000x16xf32, #tpu.memory_space<vmem>>, %arg2: memref<1000x16xf32, #tpu.memory_space<vmem>>, %arg3: memref<1000x256xf32, #tpu.memory_space<vmem>>, %arg4: memref<1000x128xf32, #tpu.memory_space<vmem>>, %arg5: memref<1000x128xf32, #tpu.memory_space<vmem>>, %arg6: memref<256x512xf32, #tpu.memory_space<vmem>>, %arg7: memref<1x512xf32, #tpu.memory_space<vmem>>, %arg8: memref<1000x512xf32, #tpu.memory_space<vmem>>) attributes {dimension_semantics = [#tpu.dimension_semantics<parallel>], iteration_bounds = array<i64: 10>, scalar_prefetch = 0 : i64, scratch_operands = 0 : i64, tpu.core_type = #tpu.core_type<tc>, window_params = [{transform_indices = @transform_0, window_bounds = array<i64: 1000, 16>}, {transform_indices = @transform_1, window_bounds = array<i64: 1000, 16>}, {transform_indices = @transform_2, window_bounds = array<i64: 1000, 256>}, {transform_indices = @transform_3, window_bounds = array<i64: 1000, 128>}, {transform_indices = @transform_4, window_bounds = array<i64: 1000, 128>}, {pipeline_mode = #tpu.pipeline_mode<synchronous>, transform_indices = @transform_5, window_bounds = array<i64: 256, 512>}, {pipeline_mode = #tpu.pipeline_mode<synchronous>, transform_indices = @transform_6, window_bounds = array<i64: 1, 512>}, {transform_indices = @transform_7, window_bounds = array<i64: 1000, 512>}]} {
    %get3A = arith.constant 0 : index
    %get3A_0 = arith.constant 0 : index
    %get3A_1 = vector.load %arg1[%get3A, %get3A_0] : memref<1000x16xf32, #tpu.memory_space<vmem>>, vector<1000x1xf32>
    %get3A_2 = arith.constant 0 : index
    %get3A_3 = arith.constant 0 : index
    %get3A_4 = vector.load %arg2[%get3A_2, %get3A_3] : memref<1000x16xf32, #tpu.memory_space<vmem>>, vector<1000x1xf32>
    %add3A = arith.addf %get3A_1, %get3A_4 : vector<1000x1xf32>
    %add3A_5 = arith.constant 1.000000e+00 : f32
    %add3A_6 = vector.broadcast %add3A_5 : f32 to vector<1000x1xf32>
    %add3A_7 = arith.addf %add3A, %add3A_6 : vector<1000x1xf32>
    %rsqrt3A = math.rsqrt %add3A_7 : vector<1000x1xf32>
    %mul3A = arith.mulf %rsqrt3A, %rsqrt3A : vector<1000x1xf32>
    %get3A_8 = arith.constant 0 : index
    %get3A_9 = arith.constant 0 : index
    %get3A_10 = vector.load %arg4[%get3A_8, %get3A_9] : memref<1000x128xf32, #tpu.memory_space<vmem>>, vector<1000x128xf32>
    %mul3A_11 = vector.broadcast %rsqrt3A : vector<1000x1xf32> to vector<1000x128xf32>
    %mul3A_12 = arith.mulf %get3A_10, %mul3A_11 : vector<1000x128xf32>
    %get3A_13 = arith.constant 0 : index
    %get3A_14 = arith.constant 0 : index
    %get3A_15 = vector.load %arg3[%get3A_13, %get3A_14] : memref<1000x256xf32, #tpu.memory_space<vmem>>, vector<1000x128xf32>
    %mul3A_16 = vector.broadcast %mul3A : vector<1000x1xf32> to vector<1000x128xf32>
    %mul3A_17 = arith.mulf %get3A_15, %mul3A_16 : vector<1000x128xf32>
    %add3A_18 = arith.addf %mul3A_12, %mul3A_17 : vector<1000x128xf32>
    %get3A_19 = arith.constant 0 : index
    %get3A_20 = arith.constant 0 : index
    %get3A_21 = vector.load %arg5[%get3A_19, %get3A_20] : memref<1000x128xf32, #tpu.memory_space<vmem>>, vector<1000x128xf32>
    %mul3A_22 = vector.broadcast %rsqrt3A : vector<1000x1xf32> to vector<1000x128xf32>
    %mul3A_23 = arith.mulf %get3A_21, %mul3A_22 : vector<1000x128xf32>
    %get3A_24 = arith.constant 0 : index
    %get3A_25 = arith.constant 128 : index
    %get3A_26 = vector.load %arg3[%get3A_24, %get3A_25] : memref<1000x256xf32, #tpu.memory_space<vmem>>, vector<1000x128xf32>
    %mul3A_27 = vector.broadcast %mul3A : vector<1000x1xf32> to vector<1000x128xf32>
    %mul3A_28 = arith.mulf %get3A_26, %mul3A_27 : vector<1000x128xf32>
    %add3A_29 = arith.addf %mul3A_23, %mul3A_28 : vector<1000x128xf32>
    %concatenate3A = tpu.concatenate %add3A_18, %add3A_29 in 1 : vector<1000x128xf32>, vector<1000x128xf32> -> vector<1000x256xf32>
    %get3A_30 = arith.constant 0 : index
    %get3A_31 = arith.constant 0 : index
    %get3A_32 = vector.load %arg6[%get3A_30, %get3A_31] : memref<256x512xf32, #tpu.memory_space<vmem>>, vector<256x512xf32>
    %dot_general3A = arith.constant dense<0.000000e+00> : vector<1000x512xf32>
    %dot_general3A_33 = tpu.matmul %concatenate3A, %get3A_32, %dot_general3A {dimension_numbers = #tpu.dot_dimension_numbers<[1], [0], [0], [1], [0, 0, 1, 1], [], []>, precision = #tpu.contract_precision<fp32>, transpose_lhs_hint = false} : vector<1000x256xf32>, vector<256x512xf32>, vector<1000x512xf32> -> vector<1000x512xf32>
    %get3A_34 = arith.constant 0 : index
    %get3A_35 = arith.constant 0 : index
    %get3A_36 = vector.load %arg7[%get3A_34, %get3A_35] : memref<1x512xf32, #tpu.memory_space<vmem>>, vector<1x512xf32>
    %add3A_37 = vector.broadcast %get3A_36 : vector<1x512xf32> to vector<1000x512xf32>
    %add3A_38 = arith.addf %dot_general3A_33, %add3A_37 : vector<1000x512xf32>
    %max3A = arith.constant 0.000000e+00 : f32
    %max3A_39 = vector.broadcast %max3A : f32 to vector<1000x512xf32>
    %max3A_40 = arith.maximumf %add3A_38, %max3A_39 : vector<1000x512xf32>
    %swap3A = arith.constant 0 : index
    %swap3A_41 = arith.constant 0 : index
    %swap3A_42 = vector.load %arg8[%swap3A, %swap3A_41] : memref<1000x512xf32, #tpu.memory_space<vmem>>, vector<1000x512xf32>
    tpu.vector_store %arg8[%swap3A, %swap3A_41], %max3A_40 {strides = array<i32>} : memref<1000x512xf32, #tpu.memory_space<vmem>>, vector<1000x512xf32>,
    return
  }
  func.func @transform_0(%arg0: i32) -> (i32, i32) {
    %c0_i32 = arith.constant 0 : i32
    %c0_i32_0 = arith.constant 0 : i32
    return %arg0, %c0_i32 : i32, i32
  }
  func.func @transform_1(%arg0: i32) -> (i32, i32) {
    %c0_i32 = arith.constant 0 : i32
    %c0_i32_0 = arith.constant 0 : i32
    return %arg0, %c0_i32 : i32, i32
  }
  func.func @transform_2(%arg0: i32) -> (i32, i32) {
    %c0_i32 = arith.constant 0 : i32
    %c0_i32_0 = arith.constant 0 : i32
    return %arg0, %c0_i32 : i32, i32
  }
  func.func @transform_3(%arg0: i32) -> (i32, i32) {
    %c0_i32 = arith.constant 0 : i32
    %c0_i32_0 = arith.constant 0 : i32
    return %arg0, %c0_i32 : i32, i32
  }
  func.func @transform_4(%arg0: i32) -> (i32, i32) {
    %c0_i32 = arith.constant 0 : i32
    %c0_i32_0 = arith.constant 0 : i32
    return %arg0, %c0_i32 : i32, i32
  }
  func.func @transform_5(%arg0: i32) -> (i32, i32) {
    %c0_i32 = arith.constant 0 : i32
    %c0_i32_0 = arith.constant 0 : i32
    %c0_i32_1 = arith.constant 0 : i32
    return %c0_i32, %c0_i32_0 : i32, i32
  }
  func.func @transform_6(%arg0: i32) -> (i32, i32) {
    %c0_i32 = arith.constant 0 : i32
    %c0_i32_0 = arith.constant 0 : i32
    %c0_i32_1 = arith.constant 0 : i32
    return %c0_i32, %c0_i32_0 : i32, i32
  }
  func.func @transform_7(%arg0: i32) -> (i32, i32) {
    %c0_i32 = arith.constant 0 : i32
    %c0_i32_0 = arith.constant 0 : i32
    return %arg0, %c0_i32 : i32, i32
  }
}

module attributes {stable_mosaic.version = 14 : i64} {
  func.func @body(%arg0: i32, %arg1: memref<2000x16xf32, #tpu.memory_space<vmem>>, %arg2: memref<2000x16xf32, #tpu.memory_space<vmem>>, %arg3: memref<2000x512xf32, #tpu.memory_space<vmem>>, %arg4: memref<512x64xf32, #tpu.memory_space<vmem>>, %arg5: memref<2000x64xf32, #tpu.memory_space<vmem>>) attributes {dimension_semantics = [#tpu.dimension_semantics<parallel>], iteration_bounds = array<i64: 5>, scalar_prefetch = 0 : i64, scratch_operands = 0 : i64, tpu.core_type = #tpu.core_type<tc>, window_params = [{transform_indices = @transform_0, window_bounds = array<i64: 2000, 16>}, {transform_indices = @transform_1, window_bounds = array<i64: 2000, 16>}, {transform_indices = @transform_2, window_bounds = array<i64: 2000, 512>}, {pipeline_mode = #tpu.pipeline_mode<synchronous>, transform_indices = @transform_3, window_bounds = array<i64: 512, 64>}, {transform_indices = @transform_4, window_bounds = array<i64: 2000, 64>}]} {
    %get3A = arith.constant 0 : index
    %get3A_0 = arith.constant 0 : index
    %get3A_1 = vector.load %arg1[%get3A, %get3A_0] : memref<2000x16xf32, #tpu.memory_space<vmem>>, vector<2000x1xf32>
    %get3A_2 = arith.constant 0 : index
    %get3A_3 = arith.constant 0 : index
    %get3A_4 = vector.load %arg2[%get3A_2, %get3A_3] : memref<2000x16xf32, #tpu.memory_space<vmem>>, vector<2000x1xf32>
    %add3A = arith.addf %get3A_1, %get3A_4 : vector<2000x1xf32>
    %add3A_5 = arith.constant 1.000000e+00 : f32
    %add3A_6 = vector.broadcast %add3A_5 : f32 to vector<2000x1xf32>
    %add3A_7 = arith.addf %add3A, %add3A_6 : vector<2000x1xf32>
    %rsqrt3A = math.rsqrt %add3A_7 : vector<2000x1xf32>
    %get3A_8 = arith.constant 0 : index
    %get3A_9 = arith.constant 0 : index
    %get3A_10 = vector.load %arg3[%get3A_8, %get3A_9] : memref<2000x512xf32, #tpu.memory_space<vmem>>, vector<2000x512xf32>
    %get3A_11 = arith.constant 0 : index
    %get3A_12 = arith.constant 0 : index
    %get3A_13 = vector.load %arg4[%get3A_11, %get3A_12] : memref<512x64xf32, #tpu.memory_space<vmem>>, vector<512x64xf32>
    %dot_general3A = arith.constant dense<0.000000e+00> : vector<2000x64xf32>
    %dot_general3A_14 = tpu.matmul %get3A_10, %get3A_13, %dot_general3A {dimension_numbers = #tpu.dot_dimension_numbers<[1], [0], [0], [1], [0, 0, 1, 1], [], []>, precision = #tpu.contract_precision<fp32>, transpose_lhs_hint = false} : vector<2000x512xf32>, vector<512x64xf32>, vector<2000x64xf32> -> vector<2000x64xf32>
    %mul3A = vector.broadcast %rsqrt3A : vector<2000x1xf32> to vector<2000x64xf32>
    %mul3A_15 = arith.mulf %dot_general3A_14, %mul3A : vector<2000x64xf32>
    %swap3A = arith.constant 0 : index
    %swap3A_16 = arith.constant 0 : index
    %swap3A_17 = vector.load %arg5[%swap3A, %swap3A_16] : memref<2000x64xf32, #tpu.memory_space<vmem>>, vector<2000x64xf32>
    tpu.vector_store %arg5[%swap3A, %swap3A_16], %mul3A_15 {strides = array<i32>} : memref<2000x64xf32, #tpu.memory_space<vmem>>, vector<2000x64xf32>,
    return
  }
  func.func @transform_0(%arg0: i32) -> (i32, i32) {
    %c0_i32 = arith.constant 0 : i32
    %c0_i32_0 = arith.constant 0 : i32
    return %arg0, %c0_i32 : i32, i32
  }
  func.func @transform_1(%arg0: i32) -> (i32, i32) {
    %c0_i32 = arith.constant 0 : i32
    %c0_i32_0 = arith.constant 0 : i32
    return %arg0, %c0_i32 : i32, i32
  }
  func.func @transform_2(%arg0: i32) -> (i32, i32) {
    %c0_i32 = arith.constant 0 : i32
    %c0_i32_0 = arith.constant 0 : i32
    return %arg0, %c0_i32 : i32, i32
  }
  func.func @transform_3(%arg0: i32) -> (i32, i32) {
    %c0_i32 = arith.constant 0 : i32
    %c0_i32_0 = arith.constant 0 : i32
    %c0_i32_1 = arith.constant 0 : i32
    return %c0_i32, %c0_i32_0 : i32, i32
  }
  func.func @transform_4(%arg0: i32) -> (i32, i32) {
    %c0_i32 = arith.constant 0 : i32
    %c0_i32_0 = arith.constant 0 : i32
    return %arg0, %c0_i32 : i32, i32
  }
}

module attributes {stable_mosaic.version = 14 : i64} {
  func.func @body(%arg0: i32, %arg1: memref<2000x16xf32, #tpu.memory_space<vmem>>, %arg2: memref<2000x16xf32, #tpu.memory_space<vmem>>, %arg3: memref<2000x64xf32, #tpu.memory_space<vmem>>, %arg4: memref<2000x64xf32, #tpu.memory_space<vmem>>, %arg5: memref<2000x64xf32, #tpu.memory_space<vmem>>, %arg6: memref<1x64xf32, #tpu.memory_space<vmem>>, %arg7: memref<2000x64xf32, #tpu.memory_space<vmem>>) attributes {dimension_semantics = [#tpu.dimension_semantics<parallel>], iteration_bounds = array<i64: 5>, scalar_prefetch = 0 : i64, scratch_operands = 0 : i64, tpu.core_type = #tpu.core_type<tc>, window_params = [{transform_indices = @transform_0, window_bounds = array<i64: 2000, 16>}, {transform_indices = @transform_1, window_bounds = array<i64: 2000, 16>}, {transform_indices = @transform_2, window_bounds = array<i64: 2000, 64>}, {transform_indices = @transform_3, window_bounds = array<i64: 2000, 64>}, {transform_indices = @transform_4, window_bounds = array<i64: 2000, 64>}, {pipeline_mode = #tpu.pipeline_mode<synchronous>, transform_indices = @transform_5, window_bounds = array<i64: 1, 64>}, {transform_indices = @transform_6, window_bounds = array<i64: 2000, 64>}]} {
    %get3A = arith.constant 0 : index
    %get3A_0 = arith.constant 0 : index
    %get3A_1 = vector.load %arg1[%get3A, %get3A_0] : memref<2000x16xf32, #tpu.memory_space<vmem>>, vector<2000x1xf32>
    %get3A_2 = arith.constant 0 : index
    %get3A_3 = arith.constant 0 : index
    %get3A_4 = vector.load %arg2[%get3A_2, %get3A_3] : memref<2000x16xf32, #tpu.memory_space<vmem>>, vector<2000x1xf32>
    %add3A = arith.addf %get3A_1, %get3A_4 : vector<2000x1xf32>
    %add3A_5 = arith.constant 1.000000e+00 : f32
    %add3A_6 = vector.broadcast %add3A_5 : f32 to vector<2000x1xf32>
    %add3A_7 = arith.addf %add3A, %add3A_6 : vector<2000x1xf32>
    %rsqrt3A = math.rsqrt %add3A_7 : vector<2000x1xf32>
    %get3A_8 = arith.constant 0 : index
    %get3A_9 = arith.constant 0 : index
    %get3A_10 = vector.load %arg3[%get3A_8, %get3A_9] : memref<2000x64xf32, #tpu.memory_space<vmem>>, vector<2000x64xf32>
    %get3A_11 = arith.constant 0 : index
    %get3A_12 = arith.constant 0 : index
    %get3A_13 = vector.load %arg4[%get3A_11, %get3A_12] : memref<2000x64xf32, #tpu.memory_space<vmem>>, vector<2000x64xf32>
    %add3A_14 = arith.addf %get3A_10, %get3A_13 : vector<2000x64xf32>
    %get3A_15 = arith.constant 0 : index
    %get3A_16 = arith.constant 0 : index
    %get3A_17 = vector.load %arg5[%get3A_15, %get3A_16] : memref<2000x64xf32, #tpu.memory_space<vmem>>, vector<2000x64xf32>
    %add3A_18 = arith.addf %add3A_14, %get3A_17 : vector<2000x64xf32>
    %mul3A = vector.broadcast %rsqrt3A : vector<2000x1xf32> to vector<2000x64xf32>
    %mul3A_19 = arith.mulf %add3A_18, %mul3A : vector<2000x64xf32>
    %get3A_20 = arith.constant 0 : index
    %get3A_21 = arith.constant 0 : index
    %get3A_22 = vector.load %arg6[%get3A_20, %get3A_21] : memref<1x64xf32, #tpu.memory_space<vmem>>, vector<1x64xf32>
    %add3A_23 = vector.broadcast %get3A_22 : vector<1x64xf32> to vector<2000x64xf32>
    %add3A_24 = arith.addf %mul3A_19, %add3A_23 : vector<2000x64xf32>
    %swap3A = arith.constant 0 : index
    %swap3A_25 = arith.constant 0 : index
    %swap3A_26 = vector.load %arg7[%swap3A, %swap3A_25] : memref<2000x64xf32, #tpu.memory_space<vmem>>, vector<2000x64xf32>
    tpu.vector_store %arg7[%swap3A, %swap3A_25], %add3A_24 {strides = array<i32>} : memref<2000x64xf32, #tpu.memory_space<vmem>>, vector<2000x64xf32>,
    return
  }
  func.func @transform_0(%arg0: i32) -> (i32, i32) {
    %c0_i32 = arith.constant 0 : i32
    %c0_i32_0 = arith.constant 0 : i32
    return %arg0, %c0_i32 : i32, i32
  }
  func.func @transform_1(%arg0: i32) -> (i32, i32) {
    %c0_i32 = arith.constant 0 : i32
    %c0_i32_0 = arith.constant 0 : i32
    return %arg0, %c0_i32 : i32, i32
  }
  func.func @transform_2(%arg0: i32) -> (i32, i32) {
    %c0_i32 = arith.constant 0 : i32
    %c0_i32_0 = arith.constant 0 : i32
    return %arg0, %c0_i32 : i32, i32
  }
  func.func @transform_3(%arg0: i32) -> (i32, i32) {
    %c0_i32 = arith.constant 0 : i32
    %c0_i32_0 = arith.constant 0 : i32
    return %arg0, %c0_i32 : i32, i32
  }
  func.func @transform_4(%arg0: i32) -> (i32, i32) {
    %c0_i32 = arith.constant 0 : i32
    %c0_i32_0 = arith.constant 0 : i32
    return %arg0, %c0_i32 : i32, i32
  }
  func.func @transform_5(%arg0: i32) -> (i32, i32) {
    %c0_i32 = arith.constant 0 : i32
    %c0_i32_0 = arith.constant 0 : i32
    %c0_i32_1 = arith.constant 0 : i32
    return %c0_i32, %c0_i32_0 : i32, i32
  }
  func.func @transform_6(%arg0: i32) -> (i32, i32) {
    %c0_i32 = arith.constant 0 : i32
    %c0_i32_0 = arith.constant 0 : i32
    return %arg0, %c0_i32 : i32, i32
  }
}

</mosaic_0001>

<sc_bundles>
// kernel: kernel.12.cloned.1.call-start
scs
__scs_entry_jumppad:
0x0: {  	(pc) =	sbr.rel $0x88, $3  }
0x1: {  	(tag) =	ssettag $0x0;
	lr =	simm.s32 $0x1  }
0x2: {  	[smem:$0x3F9B] =	sst lr;
	_ =	strace $0xD0000000  }
0x3: {  	_ = 	snop  }
0x4: {  	_ = 	snop  }
0x5: {  	_ = 	snop  }
0x6: {  	_ = 	snop  }
0x7: {  	_ = 	snop  }
__scs_overlays_trampoline_lowered:
0x8: {  	[smem:$0x3FAA] =	sst s0  }
0x9: {  	[smem:$0x3FAB] =	sst s1  }
0xa: {  	[smem:$0x3FAC] =	sst s2  }
0xb: {  	[smem:$0x3FAD] =	sst s3  }
0xc: {  	[smem:$0x3FAE] =	sst s4  }
0xd: {  	[smem:$0x3FAF] =	sst s5  }
0xe: {  	[smem:$0x3FB0] =	sst s6  }
0xf: {  	[smem:$0x3FB1] =	sst s7  }
0x10: {  	[smem:$0x3FB2] =	sst s8  }
0x11: {  	[smem:$0x3FB3] =	sst s9;
	s0 =	simm.s32 @!p0 $0x0  }
0x12: {  	s1 =	sld [smem:$0x3F99];
	s0 =	simm.s32 @p0 $0x1  }
0x13: {  	[smem:$0x3FB4] =	sst s0;
	s0 =	simm.s32 @!p1 $0x0  }
0x14: {  	s2 =	sld [smem:$0x3F98];
	s0 =	simm.s32 @p1 $0x1  }
0x15: {  	[smem:$0x3FB5] =	sst s0;
	s0 =	simm.s32 @!p2 $0x0  }
0x16: {  	s3 =	sld [smem:$0x3FDB];
	s0 =	simm.s32 @p2 $0x1  }
0x17: {  	s4 =	simm.s32 $0x1BF5;
	[smem:$0x3FB7] =	sst s0  }
0x18: {  	s0 =	sld [smem:$0x3F9A];
	_ =	swait.ge [sflag:s4], $0x0  }
0x19: {  	s7 =	sld [smem:$0x3F9B]  }
0x1a: {  	s8 =	sadd.s32 $0xFFFFE003, lr  }
0x1b: {  	s9 =	sadd.s32 $0xFFFFFEF7, lr;
	s5 =	simm.s32 $0xFFFFFFFF;
	p2 =	slt.u32 s8, $0xFFFFF086  }
0x1c: {  	p1 =	slt.u32 s9, $0xF7A;
	s5 =	simm.s32 @!p2 $0x0  }
0x1d: {  	s5 =	simm.s32 @p1 $0x1;
	p0 =	seq.s32 s7, s2  }
0x1e: {  	s7 =	smul.u32 @!p0 $0xF7A, s2;
	p2 =	seq.s32 @!p0 s5, $0x0  }
0x1f: {  	s9 =	smul.u32 $0xF7A, s1;
	s8 =	simm.s32 @!p0 $0x1BF5;
	p2 =	por !p2, p0  }
0x20: {  	[sflag:s8] =	ssyncset.s32 @!p0 $0xFFFFF086;
	s6 =	sadd.s32 @!p0 s3, s7;
	s7 =	simm.s32 @!p0 $0x108  }
0x21: {  	s3 =	sadd.s32 s3, s9;
	s6 =	sadd.s32 @!p0 $0x88, s6;
	s7 =	simm.s32 @p2 $0x1082  }
0x22: {  	[simem:s7], [sflag:s8] =	dma.local @!p0 [hbm:s6], $0xF7A  }
0x23: {  	s9 =	sor.u32 $0xD0000000, s2;
	s6 =	simm.s32 $0x108;
	_ =	swait.ge @!p0 [sflag:s8], $0x0  }
0x24: {  	s3 =	sadd.s32 $0x88, s3;
	s6 =	simm.s32 @!p1 $0x1082;
	[sflag:s4] =	ssyncset.s32 $0xFFFFF086  }
0x25: {  	[simem:s6], [sflag:s4] =	dma.local [hbm:s3], $0xF7A  }
0x26: {  	[smem:$0x3F9B] =	sst s1;
	(tag) =	ssettag s2;
	_ =	strace s9  }
0x27: {  	s1 =	sld [smem:$0x3FAB]  }
0x28: {  	s2 =	sld [smem:$0x3FAC]  }
0x29: {  	s4 =	sld [smem:$0x3FAE]  }
0x2a: {  	p0 =	seq.s32 s5, $0x0;
	s5 =	sld [smem:$0x3FAF]  }
0x2b: {  	s6 =	sld [smem:$0x3FB0]  }
0x2c: {  	s7 =	sld [smem:$0x3FB1]  }
0x2d: {  	s3 =	simm.s32 $0x108;
	s8 =	sld [smem:$0x3FB2]  }
0x2e: {  	s3 =	simm.s32 @!p0 $0x1082;
	s9 =	sld [smem:$0x3FB3]  }
0x2f: {  	lr =	sadd.s32 s0, s3;
	s0 =	sld [smem:$0x3FAA]  }
0x30: {  	s3 =	sld [smem:$0x3FAD]  }
0x31: {  	[smem:$0x3FB6] =	sst s10  }
0x32: {  	s10 =	sld [smem:$0x3FB4];
	_ =	sdelay $0x3  }
0x33: {  	p0 =	seq.s32 s10, $0x1;
	s10 =	sld [smem:$0x3FB6];
	_ =	sdelay $0x3  }
0x34: {  	[smem:$0x3FB6] =	sst s10  }
0x35: {  	s10 =	sld [smem:$0x3FB5];
	_ =	sdelay $0x3  }
0x36: {  	p1 =	seq.s32 s10, $0x1;
	s10 =	sld [smem:$0x3FB6];
	_ =	sdelay $0x3  }
0x37: {  	[smem:$0x3FB6] =	sst s10  }
0x38: {  	s10 =	sld [smem:$0x3FB7]  }
0x39: {  	_ = 	snop;
	(pc) =	sbr.ind lr, $3  }
0x3a: {  	_ = 	snop  }
0x3b: {  	_ = 	snop  }
0x3c: {  	p2 =	seq.s32 s10, $0x1;
	s10 =	sld [smem:$0x3FB6]  }
0x3d: {  	_ =	shalt  }
0x3e: {  	_ =	shalt  }
0x3f: {  	_ =	shalt  }
0x40: {  	_ =	shalt  }
0x41: {  	_ =	shalt  }
0x42: {  	_ =	shalt  }
0x43: {  	_ =	shalt  }
0x44: {  	_ =	shalt  }
0x45: {  	_ =	shalt  }
0x46: {  	_ =	shalt  }
0x47: {  	_ =	shalt  }
0x48: {  	_ =	shalt  }
0x49: {  	_ =	shalt  }
0x4a: {  	_ =	shalt  }
0x4b: {  	_ =	shalt  }
0x4c: {  	_ =	shalt  }
0x4d: {  	_ =	shalt  }
0x4e: {  	_ =	shalt  }
0x4f: {  	_ =	shalt  }
0x50: {  	_ =	shalt  }
0x51: {  	_ =	shalt  }
0x52: {  	_ =	shalt  }
0x53: {  	_ =	shalt  }
0x54: {  	_ =	shalt  }
0x55: {  	_ =	shalt  }
0x56: {  	_ =	shalt  }
0x57: {  	_ =	shalt  }
0x58: {  	_ =	shalt  }
0x59: {  	_ =	shalt  }
0x5a: {  	_ =	shalt  }
0x5b: {  	_ =	shalt  }
0x5c: {  	_ =	shalt  }
0x5d: {  	_ =	shalt  }
0x5e: {  	_ =	shalt  }
0x5f: {  	_ =	shalt  }
0x60: {  	_ =	shalt  }
0x61: {  	_ =	shalt  }
0x62: {  	_ =	shalt  }
0x63: {  	_ =	shalt  }
0x64: {  	_ =	shalt  }
0x65: {  	_ =	shalt  }
0x66: {  	_ =	shalt  }
0x67: {  	_ =	shalt  }
0x68: {  	_ =	shalt  }
0x69: {  	_ =	shalt  }
0x6a: {  	_ =	shalt  }
0x6b: {  	_ =	shalt  }
0x6c: {  	_ =	shalt  }
0x6d: {  	_ =	shalt  }
0x6e: {  	_ =	shalt  }
0x6f: {  	_ =	shalt  }
0x70: {  	_ =	shalt  }
0x71: {  	_ =	shalt  }
0x72: {  	_ =	shalt  }
0x73: {  	_ =	shalt  }
0x74: {  	_ =	shalt  }
0x75: {  	_ =	shalt  }
0x76: {  	_ =	shalt  }
0x77: {  	_ =	shalt  }
0x78: {  	_ =	shalt  }
0x79: {  	_ =	shalt  }
0x7a: {  	_ =	shalt  }
0x7b: {  	_ =	shalt  }
0x7c: {  	_ =	shalt  }
0x7d: {  	_ =	shalt  }
0x7e: {  	_ =	shalt  }
0x7f: {  	_ =	shalt  }
0x80: {  	_ =	shalt  }
0x81: {  	_ =	shalt  }
0x82: {  	_ =	shalt  }
0x83: {  	_ =	shalt  }
0x84: {  	_ =	shalt  }
0x85: {  	_ =	shalt  }
0x86: {  	_ =	shalt  }
0x87: {  	_ =	shalt  }
.Lfunc_end0:
.L_simem_size_0:
called_computation.1_lowered:
.L_overlay_start_0:
0x88: {  	s2 =	sld [smem:$0x3FD9]  }
0x89: {  	s3 =	sld [smem:$0x3FFE];
	_ =	sdelay $0x1  }
0x8a: {  	s1 =	srdreg.scid  }
0x8b: {  	s0 =	sand.u32 $0x1, s1  }
0x8c: {  	s16 =	sshll.u32 s0, $0xA;
	s2 =	sadd.s32 s3, s2  }
0x8d: {  	s2 =	sadd.s32 s2, s16  }
0x8e: {  	[smem:$0x3FC2] =	sst s2  }
0x8f: {  	_ = 	snop  }
0x90: {  	(tm) =	ssettm $0x1  }
0x91: {  	s17 =	sld [smem:$0x3FFB];
	_ =	sdelay $0x3  }
0x92: {  	_ =	strace s17  }
0x93: {  	s2 =	sld [smem:$0x3FFC];
	_ =	sdelay $0x3  }
0x94: {  	_ =	strace s2  }
0x95: {  	s2 =	sld [smem:$0x3FFD];
	_ =	sdelay $0x3  }
0x96: {  	_ =	strace s2  }
0x97: {  	_ =	strace $0x8FFFFFFF  }
0x98: {  	s18 =	sld [smem:$0x3FDB];
	_ =	sdelay $0x1  }
0x99: {  	s19 =	simm.s32 $_scs_section_size  }
0x9a: {  	s4 =	simm.s32 $_size__tile_overlayer_lowered;
	s5 =	simm.s32 $_tile_overlayer_lowered  }
0x9b: {  	s22 =	simm.s32 $0x1BFF;
	s21 =	sshll.u32 s5, $0x1;
	s2 =	sadd.s32 s19, s18  }
0x9c: {  	s6 =	simm.s32 $0x0;
	s20 =	sshll.u32 s4, $0x1;
	s4 =	sadd.s32 s21, s2  }
0x9d: {  	[timem:s6], [sflag:s22] =	dma.local [hbm:s4], s20  }
0x9e: {  	_ =	swait.ge [sflag:s22], s20  }
0x9f: {  	s3 =	ssub.s32 $0x0, s20;
	[sflag:s22] =	ssyncset.done $0x0  }
0xa0: {  	[sflag:s22] =	ssyncadd.s32 s3;
	_ =	sdelay $0x1  }
0xa1: {  	s23 =	simm.s32 $0x1B8B  }
0xa2: {  	_ =	swait.ge [sflag:s23], $0x1  }
0xa3: {  	[sflag:s23] =	ssyncset.done $0x0  }
0xa4: {  	s25 =	simm.s32 $0x1B8E;
	s24 =	sld [smem:$0x3FFE];
	[sflag:s23] =	ssyncadd.s32 $0xFFFFFFFF  }
0xa5: {  	s26 =	simm.s32 $execute0_lowered;
	[smem:$0x3FD2] =	sst s25  }
0xa6: {  	s4 =	sshll.u32 s26, $0x1;
	_ =	strace $0x80000049;
	[dreg:$0x1] =	wrdreg $0xFFFFFFFF  }
0xa7: {  	s28 =	simm.s32 $_size_execute0_lowered;
	s2 =	sadd.s32 s2, s4;
	[dreg:$0x0] =	wrdreg $0x0  }
0xa8: {  	s4 =	sshll.u32 s28, $0x1;
	[dreg:$0x2] =	wrdreg s2  }
0xa9: {  	[dreg:$0x3] =	wrdreg s4  }
0xaa: {  	[dreg:$0x4] =	wrdreg $0xC0  }
0xab: {  	_ =	task [dreg:s6], $0x5FFFF  }
0xac: {  	[dreg:$0x1] =	wrdreg $0xFFFFFFFF  }
0xad: {  	[dreg:$0x0] =	wrdreg $0x60  }
0xae: {  	[dreg:$0x2] =	wrdreg s24  }
0xaf: {  	[dreg:$0x3] =	wrdreg $0x90000  }
0xb0: {  	[dreg:$0x4] =	wrdreg $0x9  }
0xb1: {  	_ =	task.clear_ibuf [dreg:s6], $0x5FFFF;
	_ =	strace $0x90000049  }
0xb2: {  	s29 =	simm.s32 $0x9;
	_ =	strace $0x8000004B  }
0xb3: {  	_ =	swait.ge [sflag:s29], $0x1  }
0xb4: {  	[sflag:s29] =	ssyncadd.s32 $0xFFFFFFFF  }
0xb5: {  	_ =	strace $0x9000004B  }
0xb6: {  	_ =	sfence  }
0xb7: {  	s30 =	sld [smem:$0x0];
	_ =	sdelay $0x2  }
0xb8: {  	s31 =	sshll.u32 s1, $0xD;
	s1 =	sshrl.u32 s1, $0x2  }
0xb9: {  	s3 =	sand.u32 $0x4000, s31;
	s1 =	sadd.s32 s1, s30  }
0xba: {  	s0 =	sor.u32 s3, s0;
	s1 =	sshll.u32 s1, $0x11  }
0xbb: {  	s0 =	sor.u32 s1, s0  }
0xbc: {  	s0 =	sadd.s32 $0x8F2B, s0  }
0xbd: {  	[sflag:s0] =	ssyncadd.remote.s32 $0x1  }
0xbe: {  	_ =	sfence.sel $0xFFFF  }
0xbf: {  	[dreg:$0x0] =	wrdreg $0xFFFFFFFF;
	(pc) =	sbr.abs _section_cstart, $3  }
0xc0: {  	[dreg:$0x1] =	wrdreg $0xFFFFFFFF  }
0xc1: {  	_ =	task.clear_ibuf [dreg:s6], $0x2FFFF;
	_ =	strace $0x9FFFFFFF  }
0xc2: {  	(tm) =	ssettm $0x7FFFFFFF  }
0xc3: {  	_ =	shalt  }
tec
execute0_lowered:
.L_overlay_start_1:
0x0: {  	(tag) =	ssettag $0x1  }
0x1: {  	s7 =	rddreg [dreg:$0x0]  }
0x2: {  	s2 =	rddreg [dreg:$0x1]  }
0x3: {  	s0 =	rddreg [dreg:$0x2]  }
0x4: {  	s3 =	simm.s32 $0x0;
	s1 =	stileid.u32;
	s6 =	srdreg.scid  }
0x5: {  	s18 =	simm.s32 $0x2;
	s19 =	simm.s32 $0x2800;
	s20 =	simm.s32 $0x80  }
0x6: {  	s21 =	simm.s32 $0x1;
	[smem:$0x7FF] =	sst s3;
	s4 =	smul.u32 $0x500, s1  }
0x7: {  	s8 =	smul.u32 $0x50000, s1;
	s5 =	sadd.s32 $0x2EA00, s7;
	s17 =	sand.u32 $0x1, s6  }
0x8: {  	s6 =	sadd.s32 $0x5C800, s7;
	s15 =	smul.u32 $0x2800, s1;
	_ =	strace $0x8000004A  }
0x9: {  	s9 =	ssub.s32 $0x2, s17;
	p0 =	sne.s32 s17, $0x0;
	s17 =	simm.s32 $0x5000  }
.Ltmp0:
0xa: {  	s14 =	sadd.s32 s4, s7;
	s4 =	sadd.s32 $0x7800, s7;
	(pc) =	sbr.rel .LBB2_1-.Ltmp0, $4  }
0xb: {  	s8 =	sshrl.u32 s8, $0x2;
	s7 =	sadd.s32 $0x84800, s7;
	s10 =	sshrl.u32 s9, $0x1  }
0xc: {  	s8 =	sadd.s32 s8, s2;
	s16 =	ssub.s32 s9, s10;
	s13 =	sadd.s32 $0x57800, s14  }
0xd: {  	s14 =	sadd.s32 $0x2800, s14;
	s9 =	sadd.s32 $0x4000, s8;
	s10 =	sadd.s32 $0x8000, s8  }
0xe: {  	v0 =	vimm.f32 $0.0e+00;
	s11 =	sadd.s32 $0xC000, s8;
	s12 =	sadd.s32 $0x10000, s8;
	s16 =	smax.u32 s16, $0x1  }
.LBB2_9:
0xf: {  	s22 =	sshra.s32 s22, $0x2;
	[sflag:s18] =	ssyncadd.s32 $0xFFFFC000  }
0x10: {  	[tilespmem:s17], [sflag:$0x1] =	stream.indirect.gather [hbm4b:s5+s20], $0x80, s22, s20, $0xb8;
	[tilespmem:$0x1D000] =	vst v63  }
0x11: {  	_ =	swait.ge [sflag:s21], $0x4000  }
0x12: {  	[sflag:s21] =	ssyncset.done $0x0  }
0x13: {  	s22 =	sadd.s32 $0x2800, s22;
	[sflag:s21] =	ssyncadd.s32 $0xFFFFC000  }
0x14: {  	[spmem:s2] =	stream.indirect.scatter.add.f32 [tilespmem:s17], [sflag:$0x2], $0x80, s22, s20, $0xb8;
	[tilespmem:$0x1D000] =	vst v63  }
0x15: {  	_ =	swait.ge [sflag:s18], $0x4000  }
0x16: {  	[sflag:s18] =	ssyncset.done $0x0  }
0x17: {  	s22 =	smov.u32 s7;
	[sflag:s18] =	ssyncadd.s32 $0xFFFFC000  }
.LBB2_10:
0x18: {  	s22 =	sadd.s32 s22, s15;
	s3 =	sadd.s32 $0x1, s3  }
0x19: {  	s23 =	sshll.u32 s1, $0x6;
	[bflag:$0x0] =	sbarrier.arrive $0xFFFF;
	p1 =	sne.s32 s3, s16  }
.Ltmp1:
0x1a: {  	s24 =	sshrl.u32 s8, $0x3;
	s23 =	sor.u32 $0x1C02, s23;
	(pc) =	sbr.rel @!p1 .LBB2_11-.Ltmp1, $4  }
0x1b: {  	[hbm:s22], [sflag:s23] =	dma.local [spmem:s24], $0x2800  }
0x1c: {  	_ =	swait.ge [sflag:s18], $0x2800  }
0x1d: {  	[sflag:s18] =	ssyncset.done $0x0  }
0x1e: {  	[sflag:s18] =	ssyncadd.s32 $0xFFFFD800  }
.LBB2_1:
0x1f: {  	s22 =	simm.s32 $0x0;
	s23 =	simm.s32 $0x200  }
.LBB2_2:
0x20: {  	p1 =	sne.s32 s23, $0xFE00;
	[tilespmem:s22+$0x5070] =	vst v0  }
0x21: {  	[tilespmem:s22+$0x5000] =	vst v0  }
0x22: {  	[tilespmem:s22+$0x5010] =	vst v0  }
.Ltmp2:
0x23: {  	[tilespmem:s22+$0x5020] =	vst v0;
	(pc) =	sbr.rel @p1 .LBB2_2-.Ltmp2, $4  }
0x24: {  	[tilespmem:s22+$0x5030] =	vst v0  }
0x25: {  	[tilespmem:s22+$0x5040] =	vst v0  }
0x26: {  	[tilespmem:s22+$0x5050] =	vst v0  }
0x27: {  	[tilespmem:s22+$0x5060] =	vst v0;
	s22 =	sshra.s32 s23, $0x2;
	s23 =	sadd.s32 $0x200, s23  }
0x28: {  	[tilespmem:s22+$0x5070] =	vst v0  }
0x29: {  	[tilespmem:s22+$0x5000] =	vst v0  }
0x2a: {  	[tilespmem:s22+$0x5010] =	vst v0  }
0x2b: {  	[tilespmem:s22+$0x5020] =	vst v0  }
0x2c: {  	[tilespmem:s22+$0x5030] =	vst v0  }
0x2d: {  	[tilespmem:s22+$0x5040] =	vst v0  }
0x2e: {  	[tilespmem:s22+$0x5050] =	vst v0  }
0x2f: {  	[tilespmem:s22+$0x5060] =	vst v0  }
0x30: {  	[spmem:s8] =	stream.linear.scatter [tilespmem:s17], [sflag:$0x2], $0x4000, $0x38;
	[tilespmem:$0x1D000] =	vst v63  }
0x31: {  	_ =	swait.ge [sflag:s18], $0x4000  }
0x32: {  	[sflag:s18] =	ssyncset.done $0x0  }
0x33: {  	[sflag:s18] =	ssyncadd.s32 $0xFFFFC000  }
0x34: {  	[spmem:s9] =	stream.linear.scatter [tilespmem:s17], [sflag:$0x2], $0x4000, $0x38;
	[tilespmem:$0x1D000] =	vst v63  }
0x35: {  	_ =	swait.ge [sflag:s18], $0x4000  }
0x36: {  	[sflag:s18] =	ssyncset.done $0x0  }
0x37: {  	[sflag:s18] =	ssyncadd.s32 $0xFFFFC000  }
0x38: {  	[spmem:s10] =	stream.linear.scatter [tilespmem:s17], [sflag:$0x2], $0x4000, $0x38;
	[tilespmem:$0x1D000] =	vst v63  }
0x39: {  	_ =	swait.ge [sflag:s18], $0x4000  }
0x3a: {  	[sflag:s18] =	ssyncset.done $0x0  }
0x3b: {  	[sflag:s18] =	ssyncadd.s32 $0xFFFFC000  }
0x3c: {  	[spmem:s11] =	stream.linear.scatter [tilespmem:s17], [sflag:$0x2], $0x4000, $0x38;
	[tilespmem:$0x1D000] =	vst v63  }
0x3d: {  	_ =	swait.ge [sflag:s18], $0x4000  }
0x3e: {  	[sflag:s18] =	ssyncset.done $0x0  }
0x3f: {  	[sflag:s18] =	ssyncadd.s32 $0xFFFFC000  }
0x40: {  	[spmem:s12] =	stream.linear.scatter [tilespmem:s17], [sflag:$0x2], $0x4000, $0x38;
	[tilespmem:$0x1D000] =	vst v63  }
0x41: {  	_ =	swait.ge [sflag:s18], $0x4000  }
0x42: {  	[sflag:s18] =	ssyncset.done $0x0  }
0x43: {  	[sflag:s18] =	ssyncadd.s32 $0xFFFFC000  }
0x44: {  	s31 =	simm.s32 $0x0;
	[bflag:$0x0] =	sbarrier.arrive $0xFFFF  }
0x45: {  	[tilespmem:s31], [sflag:$0x2] =	stream.linear.gather [hbm4b:s13+s31], $0x2800, $0x38;
	[tilespmem:$0x1D000] =	vst v63  }
0x46: {  	_ =	swait.ge [sflag:s18], $0x2800  }
0x47: {  	[sflag:s18] =	ssyncset.done $0x0  }
.Ltmp3:
0x48: {  	[sflag:s18] =	ssyncadd.s32 $0xFFFFD800;
	(pc) =	sbr.rel @p0 .LBB2_7-.Ltmp3, $4  }
0x49: {  	[tilespmem:s19], [sflag:$0x2] =	stream.linear.gather [hbm4b:s14+s31], $0x2800, $0x38;
	[tilespmem:$0x1D000] =	vst v63  }
0x4a: {  	_ =	swait.ge [sflag:s18], $0x2800  }
0x4b: {  	[sflag:s18] =	ssyncset.done $0x0  }
0x4c: {  	s22 =	simm.s32 $0x0;
	[sflag:s18] =	ssyncadd.s32 $0xFFFFD800  }
0x4d: {  	[tilespmem:s17], [sflag:$0x1] =	stream.indirect.gather [hbm4b:s4+s20], $0x80, s22, s20, $0xb8;
	[tilespmem:$0x1D000] =	vst v63  }
0x4e: {  	_ =	swait.ge [sflag:s21], $0x4000  }
0x4f: {  	[sflag:s21] =	ssyncset.done $0x0  }
0x50: {  	s31 =	simm.s32 $0x2800;
	[sflag:s21] =	ssyncadd.s32 $0xFFFFC000  }
0x51: {  	[spmem:s2] =	stream.indirect.scatter.add.f32 [tilespmem:s17], [sflag:$0x2], $0x80, s31, s20, $0xb8;
	[tilespmem:$0x1D000] =	vst v63  }
0x52: {  	_ =	swait.ge [sflag:s18], $0x4000  }
0x53: {  	s22 =	simm.s32 $0x200;
	s23 =	simm.s32 $0x400;
	[sflag:s18] =	ssyncset.done $0x0  }
.LBB2_5:
0x54: {  	s24 =	sshra.s32 s22, $0x2  }
0x55: {  	[sflag:s18] =	ssyncadd.s32 $0xFFFFC000;
	s22 =	smov.u32 s23;
	s25 =	sadd.s32 $0x200, s23  }
0x56: {  	[tilespmem:s17], [sflag:$0x1] =	stream.indirect.gather [hbm4b:s4+s20], $0x80, s24, s20, $0xb8;
	[tilespmem:$0x1D000] =	vst v63  }
0x57: {  	p1 =	seq.s32 s23, $0x9E00;
	_ =	swait.ge [sflag:s21], $0x4000  }
.Ltmp4:
0x58: {  	[sflag:s21] =	ssyncset.done $0x0;
	(pc) =	sbr.rel @!p1 .LBB2_5-.Ltmp4, $4  }
0x59: {  	s23 =	sadd.s32 $0x2800, s24;
	[sflag:s21] =	ssyncadd.s32 $0xFFFFC000  }
0x5a: {  	[spmem:s2] =	stream.indirect.scatter.add.f32 [tilespmem:s17], [sflag:$0x2], $0x80, s23, s20, $0xb8;
	[tilespmem:$0x1D000] =	vst v63  }
0x5b: {  	_ =	swait.ge [sflag:s18], $0x4000  }
0x5c: {  	s23 =	smov.u32 s25;
	[sflag:s18] =	ssyncset.done $0x0  }
0x5d: {  	s22 =	sshra.s32 s22, $0x2;
	[sflag:s18] =	ssyncadd.s32 $0xFFFFC000  }
0x5e: {  	[tilespmem:s17], [sflag:$0x1] =	stream.indirect.gather [hbm4b:s4+s20], $0x80, s22, s20, $0xb8;
	[tilespmem:$0x1D000] =	vst v63  }
0x5f: {  	_ =	swait.ge [sflag:s21], $0x4000  }
0x60: {  	[sflag:s21] =	ssyncset.done $0x0  }
.Ltmp5:
0x61: {  	s22 =	sadd.s32 $0x2800, s22;
	[sflag:s21] =	ssyncadd.s32 $0xFFFFC000;
	(pc) =	sbr.rel .LBB2_10-.Ltmp5, $4  }
0x62: {  	[spmem:s2] =	stream.indirect.scatter.add.f32 [tilespmem:s17], [sflag:$0x2], $0x80, s22, s20, $0xb8;
	[tilespmem:$0x1D000] =	vst v63  }
0x63: {  	_ =	swait.ge [sflag:s18], $0x4000  }
0x64: {  	[sflag:s18] =	ssyncset.done $0x0  }
0x65: {  	s22 =	smov.u32 s6;
	[sflag:s18] =	ssyncadd.s32 $0xFFFFC000  }
.LBB2_7:
0x66: {  	[tilespmem:s17], [sflag:$0x1] =	stream.indirect.gather [hbm4b:s5+s20], $0x80, s22, s20, $0xb8;
	[tilespmem:$0x1D000] =	vst v63  }
0x67: {  	_ =	swait.ge [sflag:s21], $0x4000  }
0x68: {  	[sflag:s21] =	ssyncset.done $0x0  }
0x69: {  	s31 =	simm.s32 $0x2800;
	[sflag:s21] =	ssyncadd.s32 $0xFFFFC000  }
0x6a: {  	[spmem:s2] =	stream.indirect.scatter.add.f32 [tilespmem:s17], [sflag:$0x2], $0x80, s31, s20, $0xb8;
	[tilespmem:$0x1D000] =	vst v63  }
0x6b: {  	_ =	swait.ge [sflag:s18], $0x4000  }
0x6c: {  	s22 =	simm.s32 $0x200;
	s23 =	simm.s32 $0x400;
	[sflag:s18] =	ssyncset.done $0x0  }
.LBB2_8:
0x6d: {  	s24 =	sshra.s32 s22, $0x2  }
0x6e: {  	[sflag:s18] =	ssyncadd.s32 $0xFFFFC000;
	s22 =	smov.u32 s23;
	s25 =	sadd.s32 $0x200, s23  }
0x6f: {  	[tilespmem:s17], [sflag:$0x1] =	stream.indirect.gather [hbm4b:s5+s20], $0x80, s24, s20, $0xb8;
	[tilespmem:$0x1D000] =	vst v63  }
0x70: {  	p1 =	sne.s32 s23, $0x9E00;
	_ =	swait.ge [sflag:s21], $0x4000  }
.Ltmp6:
0x71: {  	[sflag:s21] =	ssyncset.done $0x0;
	(pc) =	sbr.rel @p1 .LBB2_8-.Ltmp6, $4  }
0x72: {  	s23 =	sadd.s32 $0x2800, s24;
	[sflag:s21] =	ssyncadd.s32 $0xFFFFC000  }
0x73: {  	[spmem:s2] =	stream.indirect.scatter.add.f32 [tilespmem:s17], [sflag:$0x2], $0x80, s23, s20, $0xb8;
	[tilespmem:$0x1D000] =	vst v63  }
0x74: {  	_ =	swait.ge [sflag:s18], $0x4000  }
0x75: {  	s23 =	smov.u32 s25;
	[sflag:s18] =	ssyncset.done $0x0  }
.Ltmp7:
0x76: {  	_ = 	snop;
	(pc) =	sbr.rel .LBB2_9-.Ltmp7, $1  }
0x77: {  	_ =	sdelay $0x3  }
.LBB2_11:
0x78: {  	_ =	sfence.sel $0x180000  }
0x79: {  	[bflag:$0x0] =	sbarrier.arrive $0xFFFF  }
0x7a: {  	p0 =	sne.s32 s1, $0x0;
	_ =	strace $0x9000004A  }
0x7b: {  	s0 =	sadd.s32 @!p0 $0x100000, s0;
	[bflag:$0x2] =	sbarrier.arrive $0xFFFF  }
0x7c: {  	[sflag:s0] =	ssyncadd.tile.s32 @!p0 $0x1;
	_ =	shalt  }
.Lfunc_end2:
_tile_overlayer_lowered:
.L_overlay_start_2:
0x7d: {  	(tag) =	ssettag $0x2  }
0x7e: {  	s0 =	rddreg [dreg:$0x0];
	s2 =	stileid.u32  }
0x7f: {  	s1 =	rddreg [dreg:$0x1];
	p0 =	sne.s32 s2, $0x0  }
0x80: {  	s3 =	rddreg [dreg:$0x2];
	[bflag:$0x3] =	sbarrier.arrive $0xFFFF;
	s2 =	simm.s32 @!p0 $0x1C02  }
0x81: {  	[timem:s3], [sflag:s2] =	dma.local @!p0 [hbm:s0], s1  }
0x82: {  	s0 =	simm.s32 @!p0 $0x2  }
0x83: {  	_ =	swait.ge @!p0 [sflag:s0], s1  }
0x84: {  	s1 =	ssub.s32 @!p0 $0x0, s1;
	[sflag:s0] =	ssyncset.done @!p0 $0x0  }
0x85: {  	[sflag:s0] =	ssyncadd.s32 @!p0 s1  }
0x86: {  	[bflag:$0x3] =	sbarrier.arrive $0xFFFF  }
0x87: {  	_ =	shalt  }

// kernel: kernel.15.cloned.1.call-start
scs
__scs_entry_jumppad:
0x0: {  	(pc) =	sbr.rel $0x88, $3  }
0x1: {  	(tag) =	ssettag $0x0;
	lr =	simm.s32 $0x1  }
0x2: {  	[smem:$0x3F9B] =	sst lr;
	_ =	strace $0xD0000000  }
0x3: {  	_ = 	snop  }
0x4: {  	_ = 	snop  }
0x5: {  	_ = 	snop  }
0x6: {  	_ = 	snop  }
0x7: {  	_ = 	snop  }
__scs_overlays_trampoline_lowered:
0x8: {  	[smem:$0x3FAA] =	sst s0  }
0x9: {  	[smem:$0x3FAB] =	sst s1  }
0xa: {  	[smem:$0x3FAC] =	sst s2  }
0xb: {  	[smem:$0x3FAD] =	sst s3  }
0xc: {  	[smem:$0x3FAE] =	sst s4  }
0xd: {  	[smem:$0x3FAF] =	sst s5  }
0xe: {  	[smem:$0x3FB0] =	sst s6  }
0xf: {  	[smem:$0x3FB1] =	sst s7  }
0x10: {  	[smem:$0x3FB2] =	sst s8  }
0x11: {  	[smem:$0x3FB3] =	sst s9;
	s0 =	simm.s32 @!p0 $0x0  }
0x12: {  	s1 =	sld [smem:$0x3F99];
	s0 =	simm.s32 @p0 $0x1  }
0x13: {  	[smem:$0x3FB4] =	sst s0;
	s0 =	simm.s32 @!p1 $0x0  }
0x14: {  	s2 =	sld [smem:$0x3F98];
	s0 =	simm.s32 @p1 $0x1  }
0x15: {  	[smem:$0x3FB5] =	sst s0;
	s0 =	simm.s32 @!p2 $0x0  }
0x16: {  	s3 =	sld [smem:$0x3FDB];
	s0 =	simm.s32 @p2 $0x1  }
0x17: {  	s4 =	simm.s32 $0x1BF5;
	[smem:$0x3FB7] =	sst s0  }
0x18: {  	s0 =	sld [smem:$0x3F9A];
	_ =	swait.ge [sflag:s4], $0x0  }
0x19: {  	s7 =	sld [smem:$0x3F9B]  }
0x1a: {  	s8 =	sadd.s32 $0xFFFFE003, lr  }
0x1b: {  	s9 =	sadd.s32 $0xFFFFFEF7, lr;
	s5 =	simm.s32 $0xFFFFFFFF;
	p2 =	slt.u32 s8, $0xFFFFF086  }
0x1c: {  	p1 =	slt.u32 s9, $0xF7A;
	s5 =	simm.s32 @!p2 $0x0  }
0x1d: {  	s5 =	simm.s32 @p1 $0x1;
	p0 =	seq.s32 s7, s2  }
0x1e: {  	s7 =	smul.u32 @!p0 $0xF7A, s2;
	p2 =	seq.s32 @!p0 s5, $0x0  }
0x1f: {  	s9 =	smul.u32 $0xF7A, s1;
	s8 =	simm.s32 @!p0 $0x1BF5;
	p2 =	por !p2, p0  }
0x20: {  	[sflag:s8] =	ssyncset.s32 @!p0 $0xFFFFF086;
	s6 =	sadd.s32 @!p0 s3, s7;
	s7 =	simm.s32 @!p0 $0x108  }
0x21: {  	s3 =	sadd.s32 s3, s9;
	s6 =	sadd.s32 @!p0 $0x88, s6;
	s7 =	simm.s32 @p2 $0x1082  }
0x22: {  	[simem:s7], [sflag:s8] =	dma.local @!p0 [hbm:s6], $0xF7A  }
0x23: {  	s9 =	sor.u32 $0xD0000000, s2;
	s6 =	simm.s32 $0x108;
	_ =	swait.ge @!p0 [sflag:s8], $0x0  }
0x24: {  	s3 =	sadd.s32 $0x88, s3;
	s6 =	simm.s32 @!p1 $0x1082;
	[sflag:s4] =	ssyncset.s32 $0xFFFFF086  }
0x25: {  	[simem:s6], [sflag:s4] =	dma.local [hbm:s3], $0xF7A  }
0x26: {  	[smem:$0x3F9B] =	sst s1;
	(tag) =	ssettag s2;
	_ =	strace s9  }
0x27: {  	s1 =	sld [smem:$0x3FAB]  }
0x28: {  	s2 =	sld [smem:$0x3FAC]  }
0x29: {  	s4 =	sld [smem:$0x3FAE]  }
0x2a: {  	p0 =	seq.s32 s5, $0x0;
	s5 =	sld [smem:$0x3FAF]  }
0x2b: {  	s6 =	sld [smem:$0x3FB0]  }
0x2c: {  	s7 =	sld [smem:$0x3FB1]  }
0x2d: {  	s3 =	simm.s32 $0x108;
	s8 =	sld [smem:$0x3FB2]  }
0x2e: {  	s3 =	simm.s32 @!p0 $0x1082;
	s9 =	sld [smem:$0x3FB3]  }
0x2f: {  	lr =	sadd.s32 s0, s3;
	s0 =	sld [smem:$0x3FAA]  }
0x30: {  	s3 =	sld [smem:$0x3FAD]  }
0x31: {  	[smem:$0x3FB6] =	sst s10  }
0x32: {  	s10 =	sld [smem:$0x3FB4];
	_ =	sdelay $0x3  }
0x33: {  	p0 =	seq.s32 s10, $0x1;
	s10 =	sld [smem:$0x3FB6];
	_ =	sdelay $0x3  }
0x34: {  	[smem:$0x3FB6] =	sst s10  }
0x35: {  	s10 =	sld [smem:$0x3FB5];
	_ =	sdelay $0x3  }
0x36: {  	p1 =	seq.s32 s10, $0x1;
	s10 =	sld [smem:$0x3FB6];
	_ =	sdelay $0x3  }
0x37: {  	[smem:$0x3FB6] =	sst s10  }
0x38: {  	s10 =	sld [smem:$0x3FB7]  }
0x39: {  	_ = 	snop;
	(pc) =	sbr.ind lr, $3  }
0x3a: {  	_ = 	snop  }
0x3b: {  	_ = 	snop  }
0x3c: {  	p2 =	seq.s32 s10, $0x1;
	s10 =	sld [smem:$0x3FB6]  }
0x3d: {  	_ =	shalt  }
0x3e: {  	_ =	shalt  }
0x3f: {  	_ =	shalt  }
0x40: {  	_ =	shalt  }
0x41: {  	_ =	shalt  }
0x42: {  	_ =	shalt  }
0x43: {  	_ =	shalt  }
0x44: {  	_ =	shalt  }
0x45: {  	_ =	shalt  }
0x46: {  	_ =	shalt  }
0x47: {  	_ =	shalt  }
0x48: {  	_ =	shalt  }
0x49: {  	_ =	shalt  }
0x4a: {  	_ =	shalt  }
0x4b: {  	_ =	shalt  }
0x4c: {  	_ =	shalt  }
0x4d: {  	_ =	shalt  }
0x4e: {  	_ =	shalt  }
0x4f: {  	_ =	shalt  }
0x50: {  	_ =	shalt  }
0x51: {  	_ =	shalt  }
0x52: {  	_ =	shalt  }
0x53: {  	_ =	shalt  }
0x54: {  	_ =	shalt  }
0x55: {  	_ =	shalt  }
0x56: {  	_ =	shalt  }
0x57: {  	_ =	shalt  }
0x58: {  	_ =	shalt  }
0x59: {  	_ =	shalt  }
0x5a: {  	_ =	shalt  }
0x5b: {  	_ =	shalt  }
0x5c: {  	_ =	shalt  }
0x5d: {  	_ =	shalt  }
0x5e: {  	_ =	shalt  }
0x5f: {  	_ =	shalt  }
0x60: {  	_ =	shalt  }
0x61: {  	_ =	shalt  }
0x62: {  	_ =	shalt  }
0x63: {  	_ =	shalt  }
0x64: {  	_ =	shalt  }
0x65: {  	_ =	shalt  }
0x66: {  	_ =	shalt  }
0x67: {  	_ =	shalt  }
0x68: {  	_ =	shalt  }
0x69: {  	_ =	shalt  }
0x6a: {  	_ =	shalt  }
0x6b: {  	_ =	shalt  }
0x6c: {  	_ =	shalt  }
0x6d: {  	_ =	shalt  }
0x6e: {  	_ =	shalt  }
0x6f: {  	_ =	shalt  }
0x70: {  	_ =	shalt  }
0x71: {  	_ =	shalt  }
0x72: {  	_ =	shalt  }
0x73: {  	_ =	shalt  }
0x74: {  	_ =	shalt  }
0x75: {  	_ =	shalt  }
0x76: {  	_ =	shalt  }
0x77: {  	_ =	shalt  }
0x78: {  	_ =	shalt  }
0x79: {  	_ =	shalt  }
0x7a: {  	_ =	shalt  }
0x7b: {  	_ =	shalt  }
0x7c: {  	_ =	shalt  }
0x7d: {  	_ =	shalt  }
0x7e: {  	_ =	shalt  }
0x7f: {  	_ =	shalt  }
0x80: {  	_ =	shalt  }
0x81: {  	_ =	shalt  }
0x82: {  	_ =	shalt  }
0x83: {  	_ =	shalt  }
0x84: {  	_ =	shalt  }
0x85: {  	_ =	shalt  }
0x86: {  	_ =	shalt  }
0x87: {  	_ =	shalt  }
.Lfunc_end0:
.L_simem_size_0:
called_computation.2_lowered:
.L_overlay_start_0:
0x88: {  	s2 =	sld [smem:$0x3FD9]  }
0x89: {  	s3 =	sld [smem:$0x3FFE];
	_ =	sdelay $0x1  }
0x8a: {  	s1 =	srdreg.scid  }
0x8b: {  	s0 =	sand.u32 $0x1, s1  }
0x8c: {  	s17 =	sshll.u32 s0, $0xA;
	s2 =	sadd.s32 s3, s2  }
0x8d: {  	s2 =	sadd.s32 s2, s17  }
0x8e: {  	[smem:$0x3FC2] =	sst s2  }
0x8f: {  	_ = 	snop  }
0x90: {  	s2 =	sld [smem:$0x3FD0];
	(tm) =	ssettm $0x1  }
0x91: {  	s18 =	sld [smem:$0x3FFB];
	_ =	sdelay $0x3  }
0x92: {  	_ =	strace s18  }
0x93: {  	s3 =	sld [smem:$0x3FFC];
	_ =	sdelay $0x3  }
0x94: {  	_ =	strace s3  }
0x95: {  	s3 =	sld [smem:$0x3FFD];
	_ =	sdelay $0x3  }
0x96: {  	_ =	strace s3  }
0x97: {  	_ =	strace $0x8FFFFFFF  }
0x98: {  	s19 =	sld [smem:$0x3FDB];
	_ =	sdelay $0x1  }
0x99: {  	s4 =	simm.s32 $_scs_section_size  }
0x9a: {  	s5 =	simm.s32 $_size__tile_overlayer_lowered;
	s6 =	simm.s32 $_tile_overlayer_lowered  }
0x9b: {  	s22 =	simm.s32 $0x1BFF;
	s21 =	sshll.u32 s6, $0x1;
	s3 =	sadd.s32 s4, s19  }
0x9c: {  	s7 =	simm.s32 $0x0;
	s20 =	sshll.u32 s5, $0x1;
	s5 =	sadd.s32 s21, s3  }
0x9d: {  	[timem:s7], [sflag:s22] =	dma.local [hbm:s5], s20  }
0x9e: {  	_ =	swait.ge [sflag:s22], s20  }
0x9f: {  	s4 =	ssub.s32 $0x0, s20;
	[sflag:s22] =	ssyncset.done $0x0  }
0xa0: {  	[sflag:s22] =	ssyncadd.s32 s4;
	_ =	sdelay $0x1  }
0xa1: {  	s23 =	simm.s32 $0x1B8B  }
0xa2: {  	_ =	swait.ge [sflag:s23], $0x1  }
0xa3: {  	[sflag:s23] =	ssyncset.done $0x0  }
0xa4: {  	s25 =	simm.s32 $0x1B8E;
	s24 =	sld [smem:$0x3FFE];
	[sflag:s23] =	ssyncadd.s32 $0xFFFFFFFF  }
0xa5: {  	s26 =	simm.s32 $execute0_lowered;
	[smem:$0x3FD2] =	sst s25  }
0xa6: {  	s5 =	sshll.u32 s26, $0x1;
	_ =	strace $0x8000004C;
	[dreg:$0x1] =	wrdreg $0xFFFFFFFF  }
0xa7: {  	s28 =	simm.s32 $_size_execute0_lowered;
	s3 =	sadd.s32 s3, s5;
	[dreg:$0x0] =	wrdreg $0x0  }
0xa8: {  	s5 =	sshll.u32 s28, $0x1;
	[dreg:$0x2] =	wrdreg s3  }
0xa9: {  	[dreg:$0x3] =	wrdreg s5  }
0xaa: {  	[dreg:$0x4] =	wrdreg $0xC0  }
0xab: {  	_ =	task [dreg:s7], $0x5FFFF  }
0xac: {  	[dreg:$0x1] =	wrdreg $0xFFFFFFFF  }
0xad: {  	[dreg:$0x0] =	wrdreg $0x60  }
0xae: {  	[dreg:$0x2] =	wrdreg s24  }
0xaf: {  	[dreg:$0x3] =	wrdreg s2  }
0xb0: {  	[dreg:$0x4] =	wrdreg $0x48000  }
0xb1: {  	[dreg:$0x5] =	wrdreg $0x9  }
0xb2: {  	_ =	task.clear_ibuf [dreg:s7], $0x6FFFF;
	_ =	strace $0x9000004C  }
0xb3: {  	s29 =	simm.s32 $0x9;
	_ =	strace $0x8000004E  }
0xb4: {  	_ =	swait.ge [sflag:s29], $0x1  }
0xb5: {  	[sflag:s29] =	ssyncadd.s32 $0xFFFFFFFF  }
0xb6: {  	_ =	strace $0x9000004E  }
0xb7: {  	_ =	sfence  }
0xb8: {  	s30 =	sld [smem:$0x0];
	_ =	sdelay $0x2  }
0xb9: {  	s31 =	sshll.u32 s1, $0xD;
	s1 =	sshrl.u32 s1, $0x2  }
0xba: {  	s3 =	sand.u32 $0x4000, s31;
	s1 =	sadd.s32 s1, s30  }
0xbb: {  	s0 =	sor.u32 s3, s0;
	s1 =	sshll.u32 s1, $0x11  }
0xbc: {  	s0 =	sor.u32 s1, s0  }
0xbd: {  	s0 =	sadd.s32 $0x8F2B, s0  }
0xbe: {  	[sflag:s0] =	ssyncadd.remote.s32 $0x1  }
0xbf: {  	_ =	sfence.sel $0xFFFF  }
0xc0: {  	[dreg:$0x0] =	wrdreg $0xFFFFFFFF;
	(pc) =	sbr.abs _section_cstart, $3  }
0xc1: {  	[dreg:$0x1] =	wrdreg $0xFFFFFFFF  }
0xc2: {  	_ =	task.clear_ibuf [dreg:s7], $0x2FFFF;
	_ =	strace $0x9FFFFFFF  }
0xc3: {  	(tm) =	ssettm $0x7FFFFFFF  }
tec
execute0_lowered:
.L_overlay_start_1:
0x0: {  	(tag) =	ssettag $0x1  }
0x1: {  	s13 =	rddreg [dreg:$0x0]  }
0x2: {  	s2 =	rddreg [dreg:$0x1]  }
0x3: {  	s0 =	srdreg.scid;
	s3 =	rddreg [dreg:$0x2]  }
0x4: {  	s4 =	simm.s32 $0x0;
	s15 =	simm.s32 $0x7800;
	s17 =	simm.s32 $0x80  }
0x5: {  	s18 =	simm.s32 $0x1;
	s10 =	sand.u32 $0x1, s0;
	s0 =	stileid.u32  }
0x6: {  	[smem:$0x7FF] =	sst s4;
	s1 =	sshll.u32 s10, $0x4;
	s6 =	smul.u32 $0x28000, s0  }
0x7: {  	s7 =	ssub.s32 $0x2, s10;
	s12 =	smul.u32 $0xA000, s0;
	p0 =	seq.s32 s10, $0x1  }
0x8: {  	s5 =	sor.u32 s0, s1;
	s1 =	rddreg [dreg:$0x3];
	_ =	strace $0x8000004D  }
0x9: {  	s31 =	sshrl.u32 s7, $0x1;
	s15 =	simm.s32 @!p0 $0x1B800;
	s5 =	smul.u32 $0x280, s5  }
0xa: {  	s6 =	sshrl.u32 s6, $0x2;
	s14 =	ssub.s32 s7, s31;
	s16 =	sshrl.u32 s12, $0x3  }
0xb: {  	s9 =	sadd.s32 s6, s3;
	s11 =	sadd.s32 s5, s13;
	s5 =	sadd.s32 s12, s3  }
0xc: {  	s6 =	sadd.s32 $0x2000, s9;
	s7 =	sadd.s32 $0x4000, s9;
	s8 =	sadd.s32 $0x6000, s9  }
0xd: {  	s9 =	sadd.s32 $0x8000, s9;
	s12 =	smax.u32 s14, $0x1;
	s13 =	sadd.s32 s15, s13  }
0xe: {  	s14 =	simm.s32 $0x2800;
	s15 =	simm.s32 $0x2;
	s10 =	sadd.s32 $0x57800, s11  }
0xf: {  	v0 =	vimm.f32 $0.0e+00;
	s11 =	sadd.s32 $0x2800, s11;
	s13 =	sadd.s32 s13, s16;
	s16 =	simm.s32 $0x1400  }
.LBB2_1:
0x10: {  	s20 =	simm.s32 $0x100;
	s19 =	simm.s32 $0x0  }
.LBB2_2:
0x11: {  	p0 =	sne.s32 s20, $0x7F00;
	[tilespmem:s19+$0x2830] =	vst v0;
	s21 =	smov.u32 s20;
	s20 =	sadd.s32 $0x100, s20  }
.Ltmp0:
0x12: {  	[tilespmem:s19+$0x2820] =	vst v0;
	(pc) =	sbr.rel @p0 .LBB2_2-.Ltmp0, $3  }
0x13: {  	[tilespmem:s19+$0x2800] =	vst v0  }
0x14: {  	[tilespmem:s19+$0x2810] =	vst v0;
	_ =	sdelay $0x1  }
0x15: {  	s19 =	sshra.s32 s21, $0x2  }
0x16: {  	[tilespmem:s19+$0x2830] =	vst v0  }
0x17: {  	[tilespmem:s19+$0x2820] =	vst v0  }
0x18: {  	[tilespmem:s19+$0x2800] =	vst v0  }
0x19: {  	[tilespmem:s19+$0x2810] =	vst v0  }
0x1a: {  	[spmem:s5] =	stream.linear.scatter [tilespmem:s14], [sflag:$0x2], $0x2000, $0x38;
	[tilespmem:$0xE800] =	vst v63  }
0x1b: {  	_ =	swait.ge [sflag:s15], $0x2000  }
0x1c: {  	[sflag:s15] =	ssyncset.done $0x0  }
0x1d: {  	[sflag:s15] =	ssyncadd.s32 $0xFFFFE000  }
0x1e: {  	[spmem:s6] =	stream.linear.scatter [tilespmem:s14], [sflag:$0x2], $0x2000, $0x38;
	[tilespmem:$0xE800] =	vst v63  }
0x1f: {  	_ =	swait.ge [sflag:s15], $0x2000  }
0x20: {  	[sflag:s15] =	ssyncset.done $0x0  }
0x21: {  	[sflag:s15] =	ssyncadd.s32 $0xFFFFE000  }
0x22: {  	[spmem:s7] =	stream.linear.scatter [tilespmem:s14], [sflag:$0x2], $0x2000, $0x38;
	[tilespmem:$0xE800] =	vst v63  }
0x23: {  	_ =	swait.ge [sflag:s15], $0x2000  }
0x24: {  	[sflag:s15] =	ssyncset.done $0x0  }
0x25: {  	[sflag:s15] =	ssyncadd.s32 $0xFFFFE000  }
0x26: {  	[spmem:s8] =	stream.linear.scatter [tilespmem:s14], [sflag:$0x2], $0x2000, $0x38;
	[tilespmem:$0xE800] =	vst v63  }
0x27: {  	_ =	swait.ge [sflag:s15], $0x2000  }
0x28: {  	[sflag:s15] =	ssyncset.done $0x0  }
0x29: {  	[sflag:s15] =	ssyncadd.s32 $0xFFFFE000  }
0x2a: {  	[spmem:s9] =	stream.linear.scatter [tilespmem:s14], [sflag:$0x2], $0x2000, $0x38;
	[tilespmem:$0xE800] =	vst v63  }
0x2b: {  	_ =	swait.ge [sflag:s15], $0x2000  }
0x2c: {  	[sflag:s15] =	ssyncset.done $0x0  }
0x2d: {  	[sflag:s15] =	ssyncadd.s32 $0xFFFFE000  }
0x2e: {  	s29 =	simm.s32 $0x0;
	[bflag:$0x0] =	sbarrier.arrive $0xFFFF  }
0x2f: {  	[tilespmem:s29], [sflag:$0x2] =	stream.linear.gather [hbm4b:s10+s29], $0x1400, $0x38;
	[tilespmem:$0xE800] =	vst v63  }
0x30: {  	_ =	swait.ge [sflag:s15], $0x1400  }
0x31: {  	[sflag:s15] =	ssyncset.done $0x0  }
0x32: {  	[sflag:s15] =	ssyncadd.s32 $0xFFFFEC00  }
0x33: {  	[tilespmem:s16], [sflag:$0x2] =	stream.linear.gather [hbm4b:s11+s29], $0x1400, $0x38;
	[tilespmem:$0xE800] =	vst v63  }
0x34: {  	_ =	swait.ge [sflag:s15], $0x1400  }
0x35: {  	[sflag:s15] =	ssyncset.done $0x0  }
0x36: {  	s30 =	simm.s32 $0x0;
	[sflag:s15] =	ssyncadd.s32 $0xFFFFEC00  }
0x37: {  	[tilespmem:s14], [sflag:$0x1] =	stream.indirect.gather [hbm4b:s2+s17], $0x40, s30, s17, $0xb8;
	[tilespmem:$0xE800] =	vst v63  }
0x38: {  	_ =	swait.ge [sflag:s18], $0x2000  }
0x39: {  	[sflag:s18] =	ssyncset.done $0x0  }
0x3a: {  	s31 =	simm.s32 $0x1400;
	[sflag:s18] =	ssyncadd.s32 $0xFFFFE000  }
0x3b: {  	[spmem:s3] =	stream.indirect.scatter.add.f32 [tilespmem:s14], [sflag:$0x2], $0x40, s31, s17, $0xb8;
	[tilespmem:$0xE800] =	vst v63  }
0x3c: {  	_ =	swait.ge [sflag:s15], $0x2000  }
0x3d: {  	s19 =	simm.s32 $0x200;
	s20 =	simm.s32 $0x400;
	[sflag:s15] =	ssyncset.done $0x0  }
.LBB2_4:
0x3e: {  	s21 =	sshra.s32 s19, $0x2  }
0x3f: {  	[sflag:s15] =	ssyncadd.s32 $0xFFFFE000;
	s19 =	smov.u32 s20;
	s22 =	sadd.s32 $0x200, s20  }
0x40: {  	[tilespmem:s14], [sflag:$0x1] =	stream.indirect.gather [hbm4b:s2+s17], $0x40, s21, s17, $0xb8;
	[tilespmem:$0xE800] =	vst v63  }
0x41: {  	p0 =	sne.s32 s20, $0x4E00;
	_ =	swait.ge [sflag:s18], $0x2000  }
.Ltmp1:
0x42: {  	[sflag:s18] =	ssyncset.done $0x0;
	(pc) =	sbr.rel @p0 .LBB2_4-.Ltmp1, $4  }
0x43: {  	s20 =	sadd.s32 $0x1400, s21;
	[sflag:s18] =	ssyncadd.s32 $0xFFFFE000  }
0x44: {  	[spmem:s3] =	stream.indirect.scatter.add.f32 [tilespmem:s14], [sflag:$0x2], $0x40, s20, s17, $0xb8;
	[tilespmem:$0xE800] =	vst v63  }
0x45: {  	_ =	swait.ge [sflag:s15], $0x2000  }
0x46: {  	s20 =	smov.u32 s22;
	[sflag:s15] =	ssyncset.done $0x0  }
0x47: {  	s19 =	sshra.s32 s19, $0x2;
	[sflag:s15] =	ssyncadd.s32 $0xFFFFE000  }
0x48: {  	[tilespmem:s14], [sflag:$0x1] =	stream.indirect.gather [hbm4b:s2+s17], $0x40, s19, s17, $0xb8;
	[tilespmem:$0xE800] =	vst v63  }
0x49: {  	_ =	swait.ge [sflag:s18], $0x2000  }
0x4a: {  	[sflag:s18] =	ssyncset.done $0x0  }
0x4b: {  	s19 =	sadd.s32 $0x1400, s19;
	[sflag:s18] =	ssyncadd.s32 $0xFFFFE000  }
0x4c: {  	[spmem:s3] =	stream.indirect.scatter.add.f32 [tilespmem:s14], [sflag:$0x2], $0x40, s19, s17, $0xb8;
	[tilespmem:$0xE800] =	vst v63  }
0x4d: {  	_ =	swait.ge [sflag:s15], $0x2000  }
0x4e: {  	s31 =	sshll.u32 s0, $0x6;
	s4 =	sadd.s32 $0x1, s4;
	[sflag:s15] =	ssyncset.done $0x0  }
0x4f: {  	s20 =	sshrl.u32 s5, $0x3;
	p0 =	sne.s32 s4, s12;
	[sflag:s15] =	ssyncadd.s32 $0xFFFFE000  }
.Ltmp2:
0x50: {  	s19 =	sor.u32 $0x1C02, s31;
	[bflag:$0x0] =	sbarrier.arrive $0xFFFF;
	(pc) =	sbr.rel @p0 .LBB2_1-.Ltmp2, $4  }
0x51: {  	[hbm:s13], [sflag:s19] =	dma.local [spmem:s20], $0x1400  }
0x52: {  	_ =	swait.ge [sflag:s15], $0x1400  }
0x53: {  	[sflag:s15] =	ssyncset.done $0x0  }
0x54: {  	[sflag:s15] =	ssyncadd.s32 $0xFFFFEC00  }
0x55: {  	_ =	sfence.sel $0x180000  }
0x56: {  	[bflag:$0x0] =	sbarrier.arrive $0xFFFF  }
0x57: {  	p0 =	sne.s32 s0, $0x0;
	_ =	strace $0x9000004D  }
0x58: {  	s0 =	sadd.s32 @!p0 $0x100000, s1;
	[bflag:$0x2] =	sbarrier.arrive $0xFFFF  }
0x59: {  	[sflag:s0] =	ssyncadd.tile.s32 @!p0 $0x1;
	_ =	shalt  }
.Lfunc_end2:
_tile_overlayer_lowered:
.L_overlay_start_2:
0x5a: {  	(tag) =	ssettag $0x2  }
0x5b: {  	s0 =	rddreg [dreg:$0x0];
	s2 =	stileid.u32  }
0x5c: {  	s1 =	rddreg [dreg:$0x1];
	p0 =	sne.s32 s2, $0x0  }
0x5d: {  	s3 =	rddreg [dreg:$0x2];
	[bflag:$0x3] =	sbarrier.arrive $0xFFFF;
	s2 =	simm.s32 @!p0 $0x1C02  }
0x5e: {  	[timem:s3], [sflag:s2] =	dma.local @!p0 [hbm:s0], s1  }
0x5f: {  	s0 =	simm.s32 @!p0 $0x2  }
0x60: {  	_ =	swait.ge @!p0 [sflag:s0], s1  }
0x61: {  	s1 =	ssub.s32 @!p0 $0x0, s1;
	[sflag:s0] =	ssyncset.done @!p0 $0x0  }
0x62: {  	[sflag:s0] =	ssyncadd.s32 @!p0 s1  }
0x63: {  	[bflag:$0x3] =	sbarrier.arrive $0xFFFF  }
0x64: {  	_ =	shalt  }

// kernel: kernel.9.cloned.1.call-start
scs
__scs_entry_jumppad:
0x0: {  	(pc) =	sbr.rel $0x88, $3  }
0x1: {  	(tag) =	ssettag $0x0;
	lr =	simm.s32 $0x1  }
0x2: {  	[smem:$0x3F9B] =	sst lr;
	_ =	strace $0xD0000000  }
0x3: {  	_ = 	snop  }
0x4: {  	_ = 	snop  }
0x5: {  	_ = 	snop  }
0x6: {  	_ = 	snop  }
0x7: {  	_ = 	snop  }
__scs_overlays_trampoline_lowered:
0x8: {  	[smem:$0x3FAA] =	sst s0  }
0x9: {  	[smem:$0x3FAB] =	sst s1  }
0xa: {  	[smem:$0x3FAC] =	sst s2  }
0xb: {  	[smem:$0x3FAD] =	sst s3  }
0xc: {  	[smem:$0x3FAE] =	sst s4  }
0xd: {  	[smem:$0x3FAF] =	sst s5  }
0xe: {  	[smem:$0x3FB0] =	sst s6  }
0xf: {  	[smem:$0x3FB1] =	sst s7  }
0x10: {  	[smem:$0x3FB2] =	sst s8  }
0x11: {  	[smem:$0x3FB3] =	sst s9;
	s0 =	simm.s32 @!p0 $0x0  }
0x12: {  	s1 =	sld [smem:$0x3F99];
	s0 =	simm.s32 @p0 $0x1  }
0x13: {  	[smem:$0x3FB4] =	sst s0;
	s0 =	simm.s32 @!p1 $0x0  }
0x14: {  	s2 =	sld [smem:$0x3F98];
	s0 =	simm.s32 @p1 $0x1  }
0x15: {  	[smem:$0x3FB5] =	sst s0;
	s0 =	simm.s32 @!p2 $0x0  }
0x16: {  	s3 =	sld [smem:$0x3FDB];
	s0 =	simm.s32 @p2 $0x1  }
0x17: {  	s4 =	simm.s32 $0x1BF5;
	[smem:$0x3FB7] =	sst s0  }
0x18: {  	s0 =	sld [smem:$0x3F9A];
	_ =	swait.ge [sflag:s4], $0x0  }
0x19: {  	s7 =	sld [smem:$0x3F9B]  }
0x1a: {  	s8 =	sadd.s32 $0xFFFFE003, lr  }
0x1b: {  	s9 =	sadd.s32 $0xFFFFFEF7, lr;
	s5 =	simm.s32 $0xFFFFFFFF;
	p2 =	slt.u32 s8, $0xFFFFF086  }
0x1c: {  	p1 =	slt.u32 s9, $0xF7A;
	s5 =	simm.s32 @!p2 $0x0  }
0x1d: {  	s5 =	simm.s32 @p1 $0x1;
	p0 =	seq.s32 s7, s2  }
0x1e: {  	s7 =	smul.u32 @!p0 $0xF7A, s2;
	p2 =	seq.s32 @!p0 s5, $0x0  }
0x1f: {  	s9 =	smul.u32 $0xF7A, s1;
	s8 =	simm.s32 @!p0 $0x1BF5;
	p2 =	por !p2, p0  }
0x20: {  	[sflag:s8] =	ssyncset.s32 @!p0 $0xFFFFF086;
	s6 =	sadd.s32 @!p0 s3, s7;
	s7 =	simm.s32 @!p0 $0x108  }
0x21: {  	s3 =	sadd.s32 s3, s9;
	s6 =	sadd.s32 @!p0 $0x88, s6;
	s7 =	simm.s32 @p2 $0x1082  }
0x22: {  	[simem:s7], [sflag:s8] =	dma.local @!p0 [hbm:s6], $0xF7A  }
0x23: {  	s9 =	sor.u32 $0xD0000000, s2;
	s6 =	simm.s32 $0x108;
	_ =	swait.ge @!p0 [sflag:s8], $0x0  }
0x24: {  	s3 =	sadd.s32 $0x88, s3;
	s6 =	simm.s32 @!p1 $0x1082;
	[sflag:s4] =	ssyncset.s32 $0xFFFFF086  }
0x25: {  	[simem:s6], [sflag:s4] =	dma.local [hbm:s3], $0xF7A  }
0x26: {  	[smem:$0x3F9B] =	sst s1;
	(tag) =	ssettag s2;
	_ =	strace s9  }
0x27: {  	s1 =	sld [smem:$0x3FAB]  }
0x28: {  	s2 =	sld [smem:$0x3FAC]  }
0x29: {  	s4 =	sld [smem:$0x3FAE]  }
0x2a: {  	p0 =	seq.s32 s5, $0x0;
	s5 =	sld [smem:$0x3FAF]  }
0x2b: {  	s6 =	sld [smem:$0x3FB0]  }
0x2c: {  	s7 =	sld [smem:$0x3FB1]  }
0x2d: {  	s3 =	simm.s32 $0x108;
	s8 =	sld [smem:$0x3FB2]  }
0x2e: {  	s3 =	simm.s32 @!p0 $0x1082;
	s9 =	sld [smem:$0x3FB3]  }
0x2f: {  	lr =	sadd.s32 s0, s3;
	s0 =	sld [smem:$0x3FAA]  }
0x30: {  	s3 =	sld [smem:$0x3FAD]  }
0x31: {  	[smem:$0x3FB6] =	sst s10  }
0x32: {  	s10 =	sld [smem:$0x3FB4];
	_ =	sdelay $0x3  }
0x33: {  	p0 =	seq.s32 s10, $0x1;
	s10 =	sld [smem:$0x3FB6];
	_ =	sdelay $0x3  }
0x34: {  	[smem:$0x3FB6] =	sst s10  }
0x35: {  	s10 =	sld [smem:$0x3FB5];
	_ =	sdelay $0x3  }
0x36: {  	p1 =	seq.s32 s10, $0x1;
	s10 =	sld [smem:$0x3FB6];
	_ =	sdelay $0x3  }
0x37: {  	[smem:$0x3FB6] =	sst s10  }
0x38: {  	s10 =	sld [smem:$0x3FB7]  }
0x39: {  	_ = 	snop;
	(pc) =	sbr.ind lr, $3  }
0x3a: {  	_ = 	snop  }
0x3b: {  	_ = 	snop  }
0x3c: {  	p2 =	seq.s32 s10, $0x1;
	s10 =	sld [smem:$0x3FB6]  }
0x3d: {  	_ =	shalt  }
0x3e: {  	_ =	shalt  }
0x3f: {  	_ =	shalt  }
0x40: {  	_ =	shalt  }
0x41: {  	_ =	shalt  }
0x42: {  	_ =	shalt  }
0x43: {  	_ =	shalt  }
0x44: {  	_ =	shalt  }
0x45: {  	_ =	shalt  }
0x46: {  	_ =	shalt  }
0x47: {  	_ =	shalt  }
0x48: {  	_ =	shalt  }
0x49: {  	_ =	shalt  }
0x4a: {  	_ =	shalt  }
0x4b: {  	_ =	shalt  }
0x4c: {  	_ =	shalt  }
0x4d: {  	_ =	shalt  }
0x4e: {  	_ =	shalt  }
0x4f: {  	_ =	shalt  }
0x50: {  	_ =	shalt  }
0x51: {  	_ =	shalt  }
0x52: {  	_ =	shalt  }
0x53: {  	_ =	shalt  }
0x54: {  	_ =	shalt  }
0x55: {  	_ =	shalt  }
0x56: {  	_ =	shalt  }
0x57: {  	_ =	shalt  }
0x58: {  	_ =	shalt  }
0x59: {  	_ =	shalt  }
0x5a: {  	_ =	shalt  }
0x5b: {  	_ =	shalt  }
0x5c: {  	_ =	shalt  }
0x5d: {  	_ =	shalt  }
0x5e: {  	_ =	shalt  }
0x5f: {  	_ =	shalt  }
0x60: {  	_ =	shalt  }
0x61: {  	_ =	shalt  }
0x62: {  	_ =	shalt  }
0x63: {  	_ =	shalt  }
0x64: {  	_ =	shalt  }
0x65: {  	_ =	shalt  }
0x66: {  	_ =	shalt  }
0x67: {  	_ =	shalt  }
0x68: {  	_ =	shalt  }
0x69: {  	_ =	shalt  }
0x6a: {  	_ =	shalt  }
0x6b: {  	_ =	shalt  }
0x6c: {  	_ =	shalt  }
0x6d: {  	_ =	shalt  }
0x6e: {  	_ =	shalt  }
0x6f: {  	_ =	shalt  }
0x70: {  	_ =	shalt  }
0x71: {  	_ =	shalt  }
0x72: {  	_ =	shalt  }
0x73: {  	_ =	shalt  }
0x74: {  	_ =	shalt  }
0x75: {  	_ =	shalt  }
0x76: {  	_ =	shalt  }
0x77: {  	_ =	shalt  }
0x78: {  	_ =	shalt  }
0x79: {  	_ =	shalt  }
0x7a: {  	_ =	shalt  }
0x7b: {  	_ =	shalt  }
0x7c: {  	_ =	shalt  }
0x7d: {  	_ =	shalt  }
0x7e: {  	_ =	shalt  }
0x7f: {  	_ =	shalt  }
0x80: {  	_ =	shalt  }
0x81: {  	_ =	shalt  }
0x82: {  	_ =	shalt  }
0x83: {  	_ =	shalt  }
0x84: {  	_ =	shalt  }
0x85: {  	_ =	shalt  }
0x86: {  	_ =	shalt  }
0x87: {  	_ =	shalt  }
.Lfunc_end0:
.L_simem_size_0:
called_computation_lowered:
.L_overlay_start_0:
0x88: {  	s2 =	sld [smem:$0x3FD9]  }
0x89: {  	s3 =	sld [smem:$0x3FFE];
	_ =	sdelay $0x1  }
0x8a: {  	s1 =	srdreg.scid  }
0x8b: {  	s0 =	sand.u32 $0x1, s1  }
0x8c: {  	s16 =	sshll.u32 s0, $0xA;
	s2 =	sadd.s32 s3, s2  }
0x8d: {  	s2 =	sadd.s32 s2, s16  }
0x8e: {  	[smem:$0x3FC2] =	sst s2  }
0x8f: {  	_ = 	snop  }
0x90: {  	(tm) =	ssettm $0x1  }
0x91: {  	s17 =	sld [smem:$0x3FFB];
	_ =	sdelay $0x3  }
0x92: {  	_ =	strace s17  }
0x93: {  	s2 =	sld [smem:$0x3FFC];
	_ =	sdelay $0x3  }
0x94: {  	_ =	strace s2  }
0x95: {  	s2 =	sld [smem:$0x3FFD];
	_ =	sdelay $0x3  }
0x96: {  	_ =	strace s2  }
0x97: {  	_ =	strace $0x8FFFFFFF  }
0x98: {  	s18 =	sld [smem:$0x3FDB];
	_ =	sdelay $0x1  }
0x99: {  	s19 =	simm.s32 $_scs_section_size  }
0x9a: {  	s4 =	simm.s32 $_size__tile_overlayer_lowered;
	s5 =	simm.s32 $_tile_overlayer_lowered  }
0x9b: {  	s22 =	simm.s32 $0x1BFF;
	s21 =	sshll.u32 s5, $0x1;
	s2 =	sadd.s32 s19, s18  }
0x9c: {  	s6 =	simm.s32 $0x0;
	s20 =	sshll.u32 s4, $0x1;
	s4 =	sadd.s32 s21, s2  }
0x9d: {  	[timem:s6], [sflag:s22] =	dma.local [hbm:s4], s20  }
0x9e: {  	_ =	swait.ge [sflag:s22], s20  }
0x9f: {  	s3 =	ssub.s32 $0x0, s20;
	[sflag:s22] =	ssyncset.done $0x0  }
0xa0: {  	[sflag:s22] =	ssyncadd.s32 s3;
	_ =	sdelay $0x1  }
0xa1: {  	s23 =	simm.s32 $0x1B8B  }
0xa2: {  	_ =	swait.ge [sflag:s23], $0x1  }
0xa3: {  	[sflag:s23] =	ssyncset.done $0x0  }
0xa4: {  	s25 =	simm.s32 $0x1B8E;
	s24 =	sld [smem:$0x3FFE];
	[sflag:s23] =	ssyncadd.s32 $0xFFFFFFFF  }
0xa5: {  	s26 =	simm.s32 $execute0_lowered;
	[smem:$0x3FD2] =	sst s25  }
0xa6: {  	s4 =	sshll.u32 s26, $0x1;
	_ =	strace $0x80000046;
	[dreg:$0x1] =	wrdreg $0xFFFFFFFF  }
0xa7: {  	s28 =	simm.s32 $_size_execute0_lowered;
	s2 =	sadd.s32 s2, s4;
	[dreg:$0x0] =	wrdreg $0x0  }
0xa8: {  	s4 =	sshll.u32 s28, $0x1;
	[dreg:$0x2] =	wrdreg s2  }
0xa9: {  	[dreg:$0x3] =	wrdreg s4  }
0xaa: {  	[dreg:$0x4] =	wrdreg $0xC0  }
0xab: {  	_ =	task [dreg:s6], $0x5FFFF  }
0xac: {  	[dreg:$0x1] =	wrdreg $0xFFFFFFFF  }
0xad: {  	[dreg:$0x0] =	wrdreg $0x60  }
0xae: {  	[dreg:$0x2] =	wrdreg s24  }
0xaf: {  	[dreg:$0x3] =	wrdreg $0x94000  }
0xb0: {  	[dreg:$0x4] =	wrdreg $0x9  }
0xb1: {  	_ =	task.clear_ibuf [dreg:s6], $0x5FFFF;
	_ =	strace $0x90000046  }
0xb2: {  	s29 =	simm.s32 $0x9;
	_ =	strace $0x80000048  }
0xb3: {  	_ =	swait.ge [sflag:s29], $0x1  }
0xb4: {  	[sflag:s29] =	ssyncadd.s32 $0xFFFFFFFF  }
0xb5: {  	_ =	strace $0x90000048  }
0xb6: {  	_ =	sfence  }
0xb7: {  	s30 =	sld [smem:$0x0];
	_ =	sdelay $0x2  }
0xb8: {  	s31 =	sshll.u32 s1, $0xD;
	s1 =	sshrl.u32 s1, $0x2  }
0xb9: {  	s3 =	sand.u32 $0x4000, s31;
	s1 =	sadd.s32 s1, s30  }
0xba: {  	s0 =	sor.u32 s3, s0;
	s1 =	sshll.u32 s1, $0x11  }
0xbb: {  	s0 =	sor.u32 s1, s0  }
0xbc: {  	s0 =	sadd.s32 $0x8F2B, s0  }
0xbd: {  	[sflag:s0] =	ssyncadd.remote.s32 $0x1  }
0xbe: {  	_ =	sfence.sel $0xFFFF  }
0xbf: {  	[dreg:$0x0] =	wrdreg $0xFFFFFFFF;
	(pc) =	sbr.abs _section_cstart, $3  }
0xc0: {  	[dreg:$0x1] =	wrdreg $0xFFFFFFFF  }
0xc1: {  	_ =	task.clear_ibuf [dreg:s6], $0x2FFFF;
	_ =	strace $0x9FFFFFFF  }
0xc2: {  	(tm) =	ssettm $0x7FFFFFFF  }
0xc3: {  	_ =	shalt  }
tec
execute0_lowered:
.L_overlay_start_1:
0x0: {  	(tag) =	ssettag $0x1  }
0x1: {  	s10 =	rddreg [dreg:$0x0]  }
0x2: {  	s2 =	rddreg [dreg:$0x1];
	s3 =	srdreg.scid  }
0x3: {  	s0 =	rddreg [dreg:$0x2];
	s1 =	stileid.u32  }
0x4: {  	s12 =	simm.s32 $0x2F800;
	s14 =	simm.s32 $0x80;
	s15 =	simm.s32 $0x1400  }
0x5: {  	s7 =	sand.u32 $0x1, s3;
	s3 =	simm.s32 $0x0;
	s5 =	smul.u32 $0x50000, s1  }
0x6: {  	s13 =	smul.u32 $0x2800, s1;
	s16 =	sshll.u32 s1, $0x6;
	s4 =	sshll.u32 s7, $0x4  }
0x7: {  	[smem:$0x7FF] =	sst s3;
	s8 =	ssub.s32 $0x2, s7;
	p0 =	seq.s32 s7, $0x1  }
0x8: {  	s16 =	sor.u32 $0x1C01, s16;
	s4 =	sor.u32 s1, s4;
	s30 =	sshrl.u32 s5, $0x2  }
0x9: {  	_ =	strace $0x80000047;
	s31 =	sshrl.u32 s8, $0x1;
	s12 =	simm.s32 @!p0 $0x7800  }
0xa: {  	s6 =	smul.u32 $0x280, s4;
	s4 =	sadd.s32 s30, s2;
	s11 =	ssub.s32 s8, s31  }
0xb: {  	s12 =	sadd.s32 s12, s10;
	s5 =	sadd.s32 $0x4000, s4;
	s7 =	sadd.s32 $0xC000, s4  }
0xc: {  	s8 =	sadd.s32 $0x10000, s4;
	s17 =	sshrl.u32 s4, $0x3;
	s9 =	sadd.s32 s6, s10  }
0xd: {  	s6 =	sadd.s32 $0x8000, s4;
	s10 =	smax.u32 s11, $0x1;
	s11 =	sadd.s32 s12, s13  }
0xe: {  	v0 =	vimm.f32 $1.000000000e+00;
	v1 =	vimm.f32 $0.0e+00;
	s12 =	simm.s32 $0x5400;
	s13 =	simm.s32 $0x1;
	s9 =	sadd.s32 $0x2800, s9  }
.LBB2_1:
0xf: {  	s18 =	simm.s32 $0x200;
	s19 =	simm.s32 $0x0  }
.LBB2_2:
0x10: {  	p0 =	sne.s32 s18, $0xFE00;
	[tilespmem:s19+$0x1400] =	vst v0;
	s20 =	smov.u32 s18;
	s18 =	sadd.s32 $0x200, s18  }
.Ltmp0:
0x11: {  	[tilespmem:s19+$0x5400] =	vst v1;
	(pc) =	sbr.rel @p0 .LBB2_2-.Ltmp0, $2  }
0x12: {  	_ =	sdelay $0x2  }
0x13: {  	s19 =	sshra.s32 s20, $0x2  }
0x14: {  	[tilespmem:s19+$0x1400] =	vst v0  }
0x15: {  	[tilespmem:s19+$0x5400] =	vst v1  }
0x16: {  	[spmem:s4] =	stream.linear.scatter [tilespmem:s12], [sflag:$0x1], $0x4000, $0x38;
	[tilespmem:$0xBC00] =	vst v63  }
0x17: {  	_ =	swait.ge [sflag:s13], $0x4000  }
0x18: {  	[sflag:s13] =	ssyncset.done $0x0  }
0x19: {  	[sflag:s13] =	ssyncadd.s32 $0xFFFFC000  }
0x1a: {  	[spmem:s5] =	stream.linear.scatter [tilespmem:s12], [sflag:$0x1], $0x4000, $0x38;
	[tilespmem:$0xBC00] =	vst v63  }
0x1b: {  	_ =	swait.ge [sflag:s13], $0x4000  }
0x1c: {  	[sflag:s13] =	ssyncset.done $0x0  }
0x1d: {  	[sflag:s13] =	ssyncadd.s32 $0xFFFFC000  }
0x1e: {  	[spmem:s6] =	stream.linear.scatter [tilespmem:s12], [sflag:$0x1], $0x4000, $0x38;
	[tilespmem:$0xBC00] =	vst v63  }
0x1f: {  	_ =	swait.ge [sflag:s13], $0x4000  }
0x20: {  	[sflag:s13] =	ssyncset.done $0x0  }
0x21: {  	[sflag:s13] =	ssyncadd.s32 $0xFFFFC000  }
0x22: {  	[spmem:s7] =	stream.linear.scatter [tilespmem:s12], [sflag:$0x1], $0x4000, $0x38;
	[tilespmem:$0xBC00] =	vst v63  }
0x23: {  	_ =	swait.ge [sflag:s13], $0x4000  }
0x24: {  	[sflag:s13] =	ssyncset.done $0x0  }
0x25: {  	[sflag:s13] =	ssyncadd.s32 $0xFFFFC000  }
0x26: {  	[spmem:s8] =	stream.linear.scatter [tilespmem:s12], [sflag:$0x1], $0x4000, $0x38;
	[tilespmem:$0xBC00] =	vst v63  }
0x27: {  	_ =	swait.ge [sflag:s13], $0x4000  }
0x28: {  	[sflag:s13] =	ssyncset.done $0x0  }
0x29: {  	[sflag:s13] =	ssyncadd.s32 $0xFFFFC000  }
0x2a: {  	s18 =	simm.s32 $0x0;
	[bflag:$0x0] =	sbarrier.arrive $0xFFFF  }
0x2b: {  	[tilespmem:s18], [sflag:$0x1] =	stream.linear.gather [hbm4b:s9+s18], $0x1400, $0x38;
	[tilespmem:$0xBC00] =	vst v63  }
0x2c: {  	_ =	swait.ge [sflag:s13], $0x1400  }
0x2d: {  	[sflag:s13] =	ssyncset.done $0x0  }
0x2e: {  	s31 =	simm.s32 $0x0;
	[sflag:s13] =	ssyncadd.s32 $0xFFFFEC00  }
0x2f: {  	[spmem:s2] =	stream.indirect.scatter.add.f32 [tilespmem:s15], [sflag:$0x1], $0x10, s31, s14, $0xb8;
	[tilespmem:$0xBC00] =	vst v63  }
0x30: {  	_ =	swait.ge [sflag:s13], $0x800  }
0x31: {  	s18 =	simm.s32 $0x200;
	[sflag:s13] =	ssyncset.done $0x0  }
.LBB2_4:
0x32: {  	s19 =	sshra.s32 s18, $0x2;
	[sflag:s13] =	ssyncadd.s32 $0xFFFFF800;
	p0 =	sne.s32 s18, $0x4E00  }
0x33: {  	[spmem:s2] =	stream.indirect.scatter.add.f32 [tilespmem:s15], [sflag:$0x1], $0x10, s19, s14, $0xb8;
	[tilespmem:$0xBC00] =	vst v63  }
.Ltmp1:
0x34: {  	_ = 	snop;
	(pc) =	sbr.rel @p0 .LBB2_4-.Ltmp1, $4  }
0x35: {  	_ = 	snop  }
0x36: {  	s18 =	sadd.s32 $0x200, s18  }
0x37: {  	_ =	swait.ge [sflag:s13], $0x800  }
0x38: {  	[sflag:s13] =	ssyncset.done $0x0  }
0x39: {  	s3 =	sadd.s32 $0x1, s3  }
0x3a: {  	[sflag:s13] =	ssyncadd.s32 $0xFFFFF800;
	p0 =	sne.s32 s3, s10  }
.Ltmp2:
0x3b: {  	[bflag:$0x0] =	sbarrier.arrive $0xFFFF;
	(pc) =	sbr.rel @p0 .LBB2_1-.Ltmp2, $4  }
0x3c: {  	[hbm:s11], [sflag:s16] =	dma.local [spmem:s17], $0x2800  }
0x3d: {  	_ =	swait.ge [sflag:s13], $0x2800  }
0x3e: {  	[sflag:s13] =	ssyncset.done $0x0  }
0x3f: {  	[sflag:s13] =	ssyncadd.s32 $0xFFFFD800  }
0x40: {  	_ =	sfence.sel $0x180000  }
0x41: {  	[bflag:$0x0] =	sbarrier.arrive $0xFFFF  }
0x42: {  	p0 =	sne.s32 s1, $0x0;
	_ =	strace $0x90000047  }
0x43: {  	s0 =	sadd.s32 @!p0 $0x100000, s0;
	[bflag:$0x2] =	sbarrier.arrive $0xFFFF  }
0x44: {  	[sflag:s0] =	ssyncadd.tile.s32 @!p0 $0x1;
	_ =	shalt  }
.Lfunc_end2:
_tile_overlayer_lowered:
.L_overlay_start_2:
0x45: {  	(tag) =	ssettag $0x2  }
0x46: {  	s0 =	rddreg [dreg:$0x0];
	s2 =	stileid.u32  }
0x47: {  	s1 =	rddreg [dreg:$0x1];
	p0 =	sne.s32 s2, $0x0  }
0x48: {  	s3 =	rddreg [dreg:$0x2];
	[bflag:$0x3] =	sbarrier.arrive $0xFFFF;
	s2 =	simm.s32 @!p0 $0x1C01  }
0x49: {  	[timem:s3], [sflag:s2] =	dma.local @!p0 [hbm:s0], s1  }
0x4a: {  	s0 =	simm.s32 @!p0 $0x1  }
0x4b: {  	_ =	swait.ge @!p0 [sflag:s0], s1  }
0x4c: {  	s1 =	ssub.s32 @!p0 $0x0, s1;
	[sflag:s0] =	ssyncset.done @!p0 $0x0  }
0x4d: {  	[sflag:s0] =	ssyncadd.s32 @!p0 s1  }
0x4e: {  	[bflag:$0x3] =	sbarrier.arrive $0xFFFF  }
0x4f: {  	_ =	shalt  }

</sc_bundles>
